<compile_context>
chip_gen: v7x
topology: tpu7x:2x2x1
jax: 0.10.2.dev20260603
libtpu: 0.0.44.dev20260713+nightly
codegen_flags: <defaults>
</compile_context>

<pallas_src>
import functools

import jax
import jax.numpy as jnp
from jax import lax
from jax.experimental import pallas as pl
from jax.experimental.pallas import tpu as pltpu
from jax.experimental.pallas import tpu_sc as plsc

LANES = 16
NW = 32
NP = 102400
VT = NP // NW
VB = 128
SB = VT // VB
G = VB * 16 // 128


def _laplacian_sq_partials(d_rows, idx2, w_rows):
    mesh = plsc.VectorSubcoreMesh(core_axis_name="c", subcore_axis_name="s")

    @functools.partial(
        pl.kernel,
        mesh=mesh,
        out_type=jax.ShapeDtypeStruct((NW * 8, LANES), jnp.float32),
        compiler_params=pltpu.CompilerParams(use_tc_tiling_on_sc=False),
        scratch_types=[
            pltpu.VMEM((G, 128), jnp.int32),
            pltpu.VMEM((VB, LANES), jnp.float32),
            pltpu.VMEM((VB, LANES), jnp.float32),
            pltpu.VMEM((VB * 16, LANES), jnp.float32),
            pltpu.VMEM((8, LANES), jnp.float32),
            pltpu.SemaphoreType.DMA,
        ],
    )
    def k(d_hbm, idx_hbm, w_hbm, out_hbm, idx_v, w_v, down_v, rows_v, acc_v,
          sem):
        wid = lax.axis_index("s") * 2 + lax.axis_index("c")
        vbase0 = wid * VT

        def sub_block(sb, acc):
            vbase = pl.multiple_of(vbase0 + sb * VB, VB)
            ibase = pl.multiple_of(vbase * 16 // 128, 16)
            pltpu.sync_copy(idx_hbm.at[pl.ds(ibase, G)], idx_v)
            pltpu.sync_copy(w_hbm.at[pl.ds(vbase, VB)], w_v)
            pltpu.sync_copy(d_hbm.at[pl.ds(vbase, VB)], down_v)
            cps = []
            for g in range(G):
                cps.append(pltpu.async_copy(
                    d_hbm.at[idx_v.at[g]],
                    rows_v.at[pl.ds(g * 128, 128)], sem))
            for cp in cps:
                cp.wait()

            def vloop(v, acc):
                row = down_v[v, :]
                wrow = w_v[v, :]
                for kk in range(16):
                    row = row + wrow[kk] * rows_v[v * 16 + kk, :]
                return acc + row * row

            return lax.fori_loop(0, VB, vloop, acc)

        acc = lax.fori_loop(0, SB, sub_block,
                            jnp.zeros((LANES,), jnp.float32))
        acc_v[0, :] = acc
        zero = jnp.zeros((LANES,), jnp.float32)
        for r in range(1, 8):
            acc_v[r, :] = zero
        pltpu.sync_copy(acc_v, out_hbm.at[pl.ds(pl.multiple_of(wid * 8, 8),
                                                8)])

    return k(d_rows, idx2, w_rows)


def kernel(preds_geom, targets_registration_vertices, nbs_idxs, nbs_weights):
    B, N, D = preds_geom.shape
    K = nbs_idxs.shape[1]
    d = preds_geom - targets_registration_vertices
    d_rows = jnp.transpose(d, (1, 0, 2)).reshape(N, B * D)
    d_rows = jnp.pad(d_rows, ((0, NP - N), (0, LANES - B * D)))
    w_rows = jnp.pad(nbs_weights, ((0, NP - N), (0, LANES - K)))
    idx2 = jnp.pad(nbs_idxs, ((0, NP - N), (0, 0))).reshape(NP * K // 128,
                                                            128)
    partials = _laplacian_sq_partials(d_rows, idx2, w_rows)
    return jnp.sum(partials) / (B * N * D)

# --- scband reference (transcript-rebuilt; emitter-appended) ---
"""Pipeline reference for scband-laplacian-loss-78615081386501 (READ-ONLY COPY).

The authoritative reference and input builder live on the scoring server;
editing this copy changes nothing except your own understanding.
"""

import jax, jax.numpy as jnp
import numpy as np

B, N, K, D = 4, 100000, 16, 3


def compute_laplacian(x, nbs_idxs, nbs_weights):
    # x: [B, N, D]; nbs_idxs: [N, K] int; nbs_weights: [N, K] float
    gathered = x[:, nbs_idxs]  # [B, N, K, D]
    return x + (gathered * nbs_weights[None, :, :, None]).sum(2)


def setup_inputs(seed: int = 0) -> dict:
    key = jax.random.key(seed)
    k1, k2, k3, k4 = jax.random.split(key, 4)
    preds_geom = jax.random.normal(k1, (B, N, D), dtype=jnp.float32)
    targets_registration_vertices = jax.random.normal(k2, (B, N, D), dtype=jnp.float32)
    nbs_idxs = jax.random.randint(k3, (N, K), 0, N, dtype=jnp.int32)
    nbs_weights = jax.random.uniform(k4, (N, K), dtype=jnp.float32)
    return {
        "preds_geom": preds_geom,
        "targets_registration_vertices": targets_registration_vertices,
        "nbs_idxs": nbs_idxs,
        "nbs_weights": nbs_weights,
    }


def reference(preds_geom, targets_registration_vertices, nbs_idxs, nbs_weights):
    l_preds = compute_laplacian(preds_geom, nbs_idxs, nbs_weights)
    l_targets = compute_laplacian(targets_registration_vertices, nbs_idxs, nbs_weights)
    return jnp.mean((l_preds - l_targets) ** 2)

if __name__ == "__main__":
    import jax
    _d = setup_inputs()
    print(jax.jit(kernel)(*tuple(_d.values())))

</pallas_src>

<mosaic_0001>
#map = affine_map<(d0, d1) -> (0, 0)>
module attributes {stable_mosaic.version = 14 : i64} {
  func.func @k(%arg0: i32, %arg1: i32, %arg2: memref<102400x16xf32, #tpu.memory_space<hbm>>, %arg3: memref<12800x128xi32, #tpu.memory_space<hbm>>, %arg4: memref<102400x16xf32, #tpu.memory_space<hbm>>, %arg5: memref<256x16xf32, #tpu.memory_space<hbm>>, %arg6: memref<16x128xi32, #tpu.memory_space<vmem>>, %arg7: memref<128x16xf32, #tpu.memory_space<vmem>>, %arg8: memref<128x16xf32, #tpu.memory_space<vmem>>, %arg9: memref<2048x16xf32, #tpu.memory_space<vmem>>, %arg10: memref<8x16xf32, #tpu.memory_space<vmem>>, %arg11: memref<!tpu.dma_semaphore, #tpu.memory_space<semaphore_mem>>) attributes {dimension_semantics = [#tpu.dimension_semantics<core_parallel>, #tpu.dimension_semantics<subcore_parallel>], iteration_bounds = array<i64: 2, 16>, scalar_prefetch = 0 : i64, scratch_operands = 6 : i64, tpu.core_type = #tpu.core_type<sc_vector_subcore>, window_params = [{transform_indices = #map}, {transform_indices = #map}, {transform_indices = #map}, {transform_indices = #map}]} {
    %mul3A = arith.constant 2 : i32
    %mul3A_0 = arith.muli %arg1, %mul3A : i32
    %add3A = arith.addi %mul3A_0, %arg0 : i32
    %mul3A_1 = arith.constant 3200 : i32
    %mul3A_2 = arith.muli %add3A, %mul3A_1 : i32
    %broadcast_in_dim3A = arith.constant 0.000000e+00 : f32
    %broadcast_in_dim3A_3 = vector.broadcast %broadcast_in_dim3A : f32 to vector<16xf32>
    %scan3A = arith.constant 0 : i32
    %scan3A_4 = arith.constant 25 : i32
    %scan3A_5 = arith.addi %scan3A, %scan3A_4 : i32
    %scan3A_6 = arith.constant 1 : i32
    %scan3A_7 = scf.for %scan3A_60 = %scan3A to %scan3A_5 step %scan3A_6 iter_args(%scan3A_61 = %broadcast_in_dim3A_3) -> (vector<16xf32>)  : i32 {
      %mul3A_62 = arith.constant 128 : i32
      %mul3A_63 = arith.muli %scan3A_60, %mul3A_62 : i32
      %add3A_64 = arith.addi %mul3A_2, %mul3A_63 : i32
      %multiple_of3A_65 = tpu.assume_multiple %add3A_64, 128 : i32
      %mul3A_66 = arith.constant 16 : i32
      %mul3A_67 = arith.muli %multiple_of3A_65, %mul3A_66 : i32
      %jit3A = arith.constant 128 : i32
      %div3A = arith.divsi %mul3A_67, %jit3A : i32
      %sign3A = arith.constant 0 : i32
      %sign3A_68 = arith.cmpi sgt, %mul3A_67, %sign3A : i32
      %sign3A_69 = arith.extui %sign3A_68 : i1 to i32
      %sign3A_70 = arith.constant 0 : i32
      %sign3A_71 = arith.cmpi slt, %mul3A_67, %sign3A_70 : i32
      %sign3A_72 = arith.extui %sign3A_71 : i1 to i32
      %sign3A_73 = arith.subi %sign3A_69, %sign3A_72 : i32
      %sign3A_74 = arith.constant 0 : i32
      %sign3A_75 = arith.cmpi sgt, %jit3A, %sign3A_74 : i32
      %sign3A_76 = arith.extui %sign3A_75 : i1 to i32
      %sign3A_77 = arith.constant 0 : i32
      %sign3A_78 = arith.cmpi slt, %jit3A, %sign3A_77 : i32
      %sign3A_79 = arith.extui %sign3A_78 : i1 to i32
      %sign3A_80 = arith.subi %sign3A_76, %sign3A_79 : i32
      %ne3A = arith.cmpi ne, %sign3A_73, %sign3A_80 : i32
      %rem3A = arith.remsi %mul3A_67, %jit3A : i32
      %ne3A_81 = arith.constant 0 : i32
      %ne3A_82 = arith.cmpi ne, %rem3A, %ne3A_81 : i32
      %and3A = arith.andi %ne3A, %ne3A_82 : i1
      %sub3A = arith.constant 1 : i32
      %sub3A_83 = arith.subi %div3A, %sub3A : i32
      %select_n3A = arith.select %and3A, %sub3A_83, %div3A : i32
      %multiple_of3A_84 = tpu.assume_multiple %select_n3A, 16 : i32
      "tpu.region"() ({
        %run_scoped3A = tpu.sem_alloc : memref<!tpu.dma_semaphore, #tpu.memory_space<semaphore_mem>>
        %dma_start3A_409 = arith.constant 0 : i32
        %dma_start3A_410 = tpu.memref_slice %arg3[%multiple_of3A_84, %dma_start3A_409] : memref<12800x128xi32, #tpu.memory_space<hbm>> -> memref<16x128xi32, #tpu.memory_space<hbm>>
        %dma_start3A_411 = arith.constant 0 : i32
        %dma_start3A_412 = tpu.memref_slice %arg3[%multiple_of3A_84, %dma_start3A_411] : memref<12800x128xi32, #tpu.memory_space<hbm>> -> memref<16x128xi32, #tpu.memory_space<hbm>>
        tpu.enqueue_dma source(%dma_start3A_412 : memref<16x128xi32, #tpu.memory_space<hbm>>) target(%arg6 : memref<16x128xi32, #tpu.memory_space<vmem>>) target_semaphore(%run_scoped3A : memref<!tpu.dma_semaphore, #tpu.memory_space<semaphore_mem>>)
        %dma_wait3A_413 = arith.constant 0 : i32
        %dma_wait3A_414 = tpu.memref_slice %arg3[%multiple_of3A_84, %dma_wait3A_413] : memref<12800x128xi32, #tpu.memory_space<hbm>> -> memref<16x128xi32, #tpu.memory_space<hbm>>
        %dma_wait3A_415 = arith.constant 0 : i32
        %dma_wait3A_416 = tpu.memref_slice %arg3[%multiple_of3A_84, %dma_wait3A_415] : memref<12800x128xi32, #tpu.memory_space<hbm>> -> memref<16x128xi32, #tpu.memory_space<hbm>>
        tpu.wait_dma2 semaphore(%run_scoped3A : memref<!tpu.dma_semaphore, #tpu.memory_space<semaphore_mem>>) src(%dma_wait3A_416 : memref<16x128xi32, #tpu.memory_space<hbm>>) dst(%arg6 : memref<16x128xi32, #tpu.memory_space<vmem>>)
        tpu.yield
      }) : () -> ()
      "tpu.region"() ({
        %run_scoped3A = tpu.sem_alloc : memref<!tpu.dma_semaphore, #tpu.memory_space<semaphore_mem>>
        %dma_start3A_409 = arith.constant 0 : i32
        %dma_start3A_410 = tpu.memref_slice %arg4[%multiple_of3A_65, %dma_start3A_409] : memref<102400x16xf32, #tpu.memory_space<hbm>> -> memref<128x16xf32, #tpu.memory_space<hbm>>
        %dma_start3A_411 = arith.constant 0 : i32
        %dma_start3A_412 = tpu.memref_slice %arg4[%multiple_of3A_65, %dma_start3A_411] : memref<102400x16xf32, #tpu.memory_space<hbm>> -> memref<128x16xf32, #tpu.memory_space<hbm>>
        tpu.enqueue_dma source(%dma_start3A_412 : memref<128x16xf32, #tpu.memory_space<hbm>>) target(%arg7 : memref<128x16xf32, #tpu.memory_space<vmem>>) target_semaphore(%run_scoped3A : memref<!tpu.dma_semaphore, #tpu.memory_space<semaphore_mem>>)
        %dma_wait3A_413 = arith.constant 0 : i32
        %dma_wait3A_414 = tpu.memref_slice %arg4[%multiple_of3A_65, %dma_wait3A_413] : memref<102400x16xf32, #tpu.memory_space<hbm>> -> memref<128x16xf32, #tpu.memory_space<hbm>>
        %dma_wait3A_415 = arith.constant 0 : i32
        %dma_wait3A_416 = tpu.memref_slice %arg4[%multiple_of3A_65, %dma_wait3A_415] : memref<102400x16xf32, #tpu.memory_space<hbm>> -> memref<128x16xf32, #tpu.memory_space<hbm>>
        tpu.wait_dma2 semaphore(%run_scoped3A : memref<!tpu.dma_semaphore, #tpu.memory_space<semaphore_mem>>) src(%dma_wait3A_416 : memref<128x16xf32, #tpu.memory_space<hbm>>) dst(%arg7 : memref<128x16xf32, #tpu.memory_space<vmem>>)
        tpu.yield
      }) : () -> ()
      "tpu.region"() ({
        %run_scoped3A = tpu.sem_alloc : memref<!tpu.dma_semaphore, #tpu.memory_space<semaphore_mem>>
        %dma_start3A_409 = arith.constant 0 : i32
        %dma_start3A_410 = tpu.memref_slice %arg2[%multiple_of3A_65, %dma_start3A_409] : memref<102400x16xf32, #tpu.memory_space<hbm>> -> memref<128x16xf32, #tpu.memory_space<hbm>>
        %dma_start3A_411 = arith.constant 0 : i32
        %dma_start3A_412 = tpu.memref_slice %arg2[%multiple_of3A_65, %dma_start3A_411] : memref<102400x16xf32, #tpu.memory_space<hbm>> -> memref<128x16xf32, #tpu.memory_space<hbm>>
        tpu.enqueue_dma source(%dma_start3A_412 : memref<128x16xf32, #tpu.memory_space<hbm>>) target(%arg8 : memref<128x16xf32, #tpu.memory_space<vmem>>) target_semaphore(%run_scoped3A : memref<!tpu.dma_semaphore, #tpu.memory_space<semaphore_mem>>)
        %dma_wait3A_413 = arith.constant 0 : i32
        %dma_wait3A_414 = tpu.memref_slice %arg2[%multiple_of3A_65, %dma_wait3A_413] : memref<102400x16xf32, #tpu.memory_space<hbm>> -> memref<128x16xf32, #tpu.memory_space<hbm>>
        %dma_wait3A_415 = arith.constant 0 : i32
        %dma_wait3A_416 = tpu.memref_slice %arg2[%multiple_of3A_65, %dma_wait3A_415] : memref<102400x16xf32, #tpu.memory_space<hbm>> -> memref<128x16xf32, #tpu.memory_space<hbm>>
        tpu.wait_dma2 semaphore(%run_scoped3A : memref<!tpu.dma_semaphore, #tpu.memory_space<semaphore_mem>>) src(%dma_wait3A_416 : memref<128x16xf32, #tpu.memory_space<hbm>>) dst(%arg8 : memref<128x16xf32, #tpu.memory_space<vmem>>)
        tpu.yield
      }) : () -> ()
      %dma_start3A = arith.constant 0 : i32
      %dma_start3A_85 = arith.constant 0 : i32
      %dma_start3A_86 = arith.constant 0 : i32
      %dma_start3A_87 = tpu.memref_slice %arg9[%dma_start3A_85, %dma_start3A_86] : memref<2048x16xf32, #tpu.memory_space<vmem>> -> memref<128x16xf32, #tpu.memory_space<vmem>>
      %dma_start3A_88 = arith.constant 0 : i32
      %dma_start3A_89 = tpu.memref_slice %arg6[%dma_start3A, %dma_start3A_88] : memref<16x128xi32, #tpu.memory_space<vmem>> -> memref<1x128xi32, #tpu.memory_space<vmem>>
      %dma_start3A_90 = tpu.memref_squeeze %dma_start3A_89 : memref<1x128xi32, #tpu.memory_space<vmem>> -> memref<128xi32, #tpu.memory_space<vmem>>
      %dma_start3A_91 = arith.constant 0 : i32
      %dma_start3A_92 = arith.constant 0 : i32
      %dma_start3A_93 = tpu.memref_slice %arg2[%dma_start3A_91, %dma_start3A_92] : memref<102400x16xf32, #tpu.memory_space<hbm>> -> memref<102400x16xf32, #tpu.memory_space<hbm>>
      tpu.enqueue_indirect_dma source(%dma_start3A_93 : memref<102400x16xf32, #tpu.memory_space<hbm>>) target(%dma_start3A_87 : memref<128x16xf32, #tpu.memory_space<vmem>>) offsets(%dma_start3A_90 : memref<128xi32, #tpu.memory_space<vmem>>) semaphore(%arg11 : memref<!tpu.dma_semaphore, #tpu.memory_space<semaphore_mem>>)
      %dma_start3A_94 = arith.constant 1 : i32
      %dma_start3A_95 = arith.constant 128 : i32
      %dma_start3A_96 = arith.constant 0 : i32
      %dma_start3A_97 = tpu.memref_slice %arg9[%dma_start3A_95, %dma_start3A_96] : memref<2048x16xf32, #tpu.memory_space<vmem>> -> memref<128x16xf32, #tpu.memory_space<vmem>>
      %dma_start3A_98 = arith.constant 0 : i32
      %dma_start3A_99 = tpu.memref_slice %arg6[%dma_start3A_94, %dma_start3A_98] : memref<16x128xi32, #tpu.memory_space<vmem>> -> memref<1x128xi32, #tpu.memory_space<vmem>>
      %dma_start3A_100 = tpu.memref_squeeze %dma_start3A_99 : memref<1x128xi32, #tpu.memory_space<vmem>> -> memref<128xi32, #tpu.memory_space<vmem>>
      %dma_start3A_101 = arith.constant 0 : i32
      %dma_start3A_102 = arith.constant 0 : i32
      %dma_start3A_103 = tpu.memref_slice %arg2[%dma_start3A_101, %dma_start3A_102] : memref<102400x16xf32, #tpu.memory_space<hbm>> -> memref<102400x16xf32, #tpu.memory_space<hbm>>
      tpu.enqueue_indirect_dma source(%dma_start3A_103 : memref<102400x16xf32, #tpu.memory_space<hbm>>) target(%dma_start3A_97 : memref<128x16xf32, #tpu.memory_space<vmem>>) offsets(%dma_start3A_100 : memref<128xi32, #tpu.memory_space<vmem>>) semaphore(%arg11 : memref<!tpu.dma_semaphore, #tpu.memory_space<semaphore_mem>>)
      %dma_start3A_104 = arith.constant 2 : i32
      %dma_start3A_105 = arith.constant 256 : i32
      %dma_start3A_106 = arith.constant 0 : i32
      %dma_start3A_107 = tpu.memref_slice %arg9[%dma_start3A_105, %dma_start3A_106] : memref<2048x16xf32, #tpu.memory_space<vmem>> -> memref<128x16xf32, #tpu.memory_space<vmem>>
      %dma_start3A_108 = arith.constant 0 : i32
      %dma_start3A_109 = tpu.memref_slice %arg6[%dma_start3A_104, %dma_start3A_108] : memref<16x128xi32, #tpu.memory_space<vmem>> -> memref<1x128xi32, #tpu.memory_space<vmem>>
      %dma_start3A_110 = tpu.memref_squeeze %dma_start3A_109 : memref<1x128xi32, #tpu.memory_space<vmem>> -> memref<128xi32, #tpu.memory_space<vmem>>
      %dma_start3A_111 = arith.constant 0 : i32
      %dma_start3A_112 = arith.constant 0 : i32
      %dma_start3A_113 = tpu.memref_slice %arg2[%dma_start3A_111, %dma_start3A_112] : memref<102400x16xf32, #tpu.memory_space<hbm>> -> memref<102400x16xf32, #tpu.memory_space<hbm>>
      tpu.enqueue_indirect_dma source(%dma_start3A_113 : memref<102400x16xf32, #tpu.memory_space<hbm>>) target(%dma_start3A_107 : memref<128x16xf32, #tpu.memory_space<vmem>>) offsets(%dma_start3A_110 : memref<128xi32, #tpu.memory_space<vmem>>) semaphore(%arg11 : memref<!tpu.dma_semaphore, #tpu.memory_space<semaphore_mem>>)
      %dma_start3A_114 = arith.constant 3 : i32
      %dma_start3A_115 = arith.constant 384 : i32
      %dma_start3A_116 = arith.constant 0 : i32
      %dma_start3A_117 = tpu.memref_slice %arg9[%dma_start3A_115, %dma_start3A_116] : memref<2048x16xf32, #tpu.memory_space<vmem>> -> memref<128x16xf32, #tpu.memory_space<vmem>>
      %dma_start3A_118 = arith.constant 0 : i32
      %dma_start3A_119 = tpu.memref_slice %arg6[%dma_start3A_114, %dma_start3A_118] : memref<16x128xi32, #tpu.memory_space<vmem>> -> memref<1x128xi32, #tpu.memory_space<vmem>>
      %dma_start3A_120 = tpu.memref_squeeze %dma_start3A_119 : memref<1x128xi32, #tpu.memory_space<vmem>> -> memref<128xi32, #tpu.memory_space<vmem>>
      %dma_start3A_121 = arith.constant 0 : i32
      %dma_start3A_122 = arith.constant 0 : i32
      %dma_start3A_123 = tpu.memref_slice %arg2[%dma_start3A_121, %dma_start3A_122] : memref<102400x16xf32, #tpu.memory_space<hbm>> -> memref<102400x16xf32, #tpu.memory_space<hbm>>
      tpu.enqueue_indirect_dma source(%dma_start3A_123 : memref<102400x16xf32, #tpu.memory_space<hbm>>) target(%dma_start3A_117 : memref<128x16xf32, #tpu.memory_space<vmem>>) offsets(%dma_start3A_120 : memref<128xi32, #tpu.memory_space<vmem>>) semaphore(%arg11 : memref<!tpu.dma_semaphore, #tpu.memory_space<semaphore_mem>>)
      %dma_start3A_124 = arith.constant 4 : i32
      %dma_start3A_125 = arith.constant 512 : i32
      %dma_start3A_126 = arith.constant 0 : i32
      %dma_start3A_127 = tpu.memref_slice %arg9[%dma_start3A_125, %dma_start3A_126] : memref<2048x16xf32, #tpu.memory_space<vmem>> -> memref<128x16xf32, #tpu.memory_space<vmem>>
      %dma_start3A_128 = arith.constant 0 : i32
      %dma_start3A_129 = tpu.memref_slice %arg6[%dma_start3A_124, %dma_start3A_128] : memref<16x128xi32, #tpu.memory_space<vmem>> -> memref<1x128xi32, #tpu.memory_space<vmem>>
      %dma_start3A_130 = tpu.memref_squeeze %dma_start3A_129 : memref<1x128xi32, #tpu.memory_space<vmem>> -> memref<128xi32, #tpu.memory_space<vmem>>
      %dma_start3A_131 = arith.constant 0 : i32
      %dma_start3A_132 = arith.constant 0 : i32
      %dma_start3A_133 = tpu.memref_slice %arg2[%dma_start3A_131, %dma_start3A_132] : memref<102400x16xf32, #tpu.memory_space<hbm>> -> memref<102400x16xf32, #tpu.memory_space<hbm>>
      tpu.enqueue_indirect_dma source(%dma_start3A_133 : memref<102400x16xf32, #tpu.memory_space<hbm>>) target(%dma_start3A_127 : memref<128x16xf32, #tpu.memory_space<vmem>>) offsets(%dma_start3A_130 : memref<128xi32, #tpu.memory_space<vmem>>) semaphore(%arg11 : memref<!tpu.dma_semaphore, #tpu.memory_space<semaphore_mem>>)
      %dma_start3A_134 = arith.constant 5 : i32
      %dma_start3A_135 = arith.constant 640 : i32
      %dma_start3A_136 = arith.constant 0 : i32
      %dma_start3A_137 = tpu.memref_slice %arg9[%dma_start3A_135, %dma_start3A_136] : memref<2048x16xf32, #tpu.memory_space<vmem>> -> memref<128x16xf32, #tpu.memory_space<vmem>>
      %dma_start3A_138 = arith.constant 0 : i32
      %dma_start3A_139 = tpu.memref_slice %arg6[%dma_start3A_134, %dma_start3A_138] : memref<16x128xi32, #tpu.memory_space<vmem>> -> memref<1x128xi32, #tpu.memory_space<vmem>>
      %dma_start3A_140 = tpu.memref_squeeze %dma_start3A_139 : memref<1x128xi32, #tpu.memory_space<vmem>> -> memref<128xi32, #tpu.memory_space<vmem>>
      %dma_start3A_141 = arith.constant 0 : i32
      %dma_start3A_142 = arith.constant 0 : i32
      %dma_start3A_143 = tpu.memref_slice %arg2[%dma_start3A_141, %dma_start3A_142] : memref<102400x16xf32, #tpu.memory_space<hbm>> -> memref<102400x16xf32, #tpu.memory_space<hbm>>
      tpu.enqueue_indirect_dma source(%dma_start3A_143 : memref<102400x16xf32, #tpu.memory_space<hbm>>) target(%dma_start3A_137 : memref<128x16xf32, #tpu.memory_space<vmem>>) offsets(%dma_start3A_140 : memref<128xi32, #tpu.memory_space<vmem>>) semaphore(%arg11 : memref<!tpu.dma_semaphore, #tpu.memory_space<semaphore_mem>>)
      %dma_start3A_144 = arith.constant 6 : i32
      %dma_start3A_145 = arith.constant 768 : i32
      %dma_start3A_146 = arith.constant 0 : i32
      %dma_start3A_147 = tpu.memref_slice %arg9[%dma_start3A_145, %dma_start3A_146] : memref<2048x16xf32, #tpu.memory_space<vmem>> -> memref<128x16xf32, #tpu.memory_space<vmem>>
      %dma_start3A_148 = arith.constant 0 : i32
      %dma_start3A_149 = tpu.memref_slice %arg6[%dma_start3A_144, %dma_start3A_148] : memref<16x128xi32, #tpu.memory_space<vmem>> -> memref<1x128xi32, #tpu.memory_space<vmem>>
      %dma_start3A_150 = tpu.memref_squeeze %dma_start3A_149 : memref<1x128xi32, #tpu.memory_space<vmem>> -> memref<128xi32, #tpu.memory_space<vmem>>
      %dma_start3A_151 = arith.constant 0 : i32
      %dma_start3A_152 = arith.constant 0 : i32
      %dma_start3A_153 = tpu.memref_slice %arg2[%dma_start3A_151, %dma_start3A_152] : memref<102400x16xf32, #tpu.memory_space<hbm>> -> memref<102400x16xf32, #tpu.memory_space<hbm>>
      tpu.enqueue_indirect_dma source(%dma_start3A_153 : memref<102400x16xf32, #tpu.memory_space<hbm>>) target(%dma_start3A_147 : memref<128x16xf32, #tpu.memory_space<vmem>>) offsets(%dma_start3A_150 : memref<128xi32, #tpu.memory_space<vmem>>) semaphore(%arg11 : memref<!tpu.dma_semaphore, #tpu.memory_space<semaphore_mem>>)
      %dma_start3A_154 = arith.constant 7 : i32
      %dma_start3A_155 = arith.constant 896 : i32
      %dma_start3A_156 = arith.constant 0 : i32
      %dma_start3A_157 = tpu.memref_slice %arg9[%dma_start3A_155, %dma_start3A_156] : memref<2048x16xf32, #tpu.memory_space<vmem>> -> memref<128x16xf32, #tpu.memory_space<vmem>>
      %dma_start3A_158 = arith.constant 0 : i32
      %dma_start3A_159 = tpu.memref_slice %arg6[%dma_start3A_154, %dma_start3A_158] : memref<16x128xi32, #tpu.memory_space<vmem>> -> memref<1x128xi32, #tpu.memory_space<vmem>>
      %dma_start3A_160 = tpu.memref_squeeze %dma_start3A_159 : memref<1x128xi32, #tpu.memory_space<vmem>> -> memref<128xi32, #tpu.memory_space<vmem>>
      %dma_start3A_161 = arith.constant 0 : i32
      %dma_start3A_162 = arith.constant 0 : i32
      %dma_start3A_163 = tpu.memref_slice %arg2[%dma_start3A_161, %dma_start3A_162] : memref<102400x16xf32, #tpu.memory_space<hbm>> -> memref<102400x16xf32, #tpu.memory_space<hbm>>
      tpu.enqueue_indirect_dma source(%dma_start3A_163 : memref<102400x16xf32, #tpu.memory_space<hbm>>) target(%dma_start3A_157 : memref<128x16xf32, #tpu.memory_space<vmem>>) offsets(%dma_start3A_160 : memref<128xi32, #tpu.memory_space<vmem>>) semaphore(%arg11 : memref<!tpu.dma_semaphore, #tpu.memory_space<semaphore_mem>>)
      %dma_start3A_164 = arith.constant 8 : i32
      %dma_start3A_165 = arith.constant 1024 : i32
      %dma_start3A_166 = arith.constant 0 : i32
      %dma_start3A_167 = tpu.memref_slice %arg9[%dma_start3A_165, %dma_start3A_166] : memref<2048x16xf32, #tpu.memory_space<vmem>> -> memref<128x16xf32, #tpu.memory_space<vmem>>
      %dma_start3A_168 = arith.constant 0 : i32
      %dma_start3A_169 = tpu.memref_slice %arg6[%dma_start3A_164, %dma_start3A_168] : memref<16x128xi32, #tpu.memory_space<vmem>> -> memref<1x128xi32, #tpu.memory_space<vmem>>
      %dma_start3A_170 = tpu.memref_squeeze %dma_start3A_169 : memref<1x128xi32, #tpu.memory_space<vmem>> -> memref<128xi32, #tpu.memory_space<vmem>>
      %dma_start3A_171 = arith.constant 0 : i32
      %dma_start3A_172 = arith.constant 0 : i32
      %dma_start3A_173 = tpu.memref_slice %arg2[%dma_start3A_171, %dma_start3A_172] : memref<102400x16xf32, #tpu.memory_space<hbm>> -> memref<102400x16xf32, #tpu.memory_space<hbm>>
      tpu.enqueue_indirect_dma source(%dma_start3A_173 : memref<102400x16xf32, #tpu.memory_space<hbm>>) target(%dma_start3A_167 : memref<128x16xf32, #tpu.memory_space<vmem>>) offsets(%dma_start3A_170 : memref<128xi32, #tpu.memory_space<vmem>>) semaphore(%arg11 : memref<!tpu.dma_semaphore, #tpu.memory_space<semaphore_mem>>)
      %dma_start3A_174 = arith.constant 9 : i32
      %dma_start3A_175 = arith.constant 1152 : i32
      %dma_start3A_176 = arith.constant 0 : i32
      %dma_start3A_177 = tpu.memref_slice %arg9[%dma_start3A_175, %dma_start3A_176] : memref<2048x16xf32, #tpu.memory_space<vmem>> -> memref<128x16xf32, #tpu.memory_space<vmem>>
      %dma_start3A_178 = arith.constant 0 : i32
      %dma_start3A_179 = tpu.memref_slice %arg6[%dma_start3A_174, %dma_start3A_178] : memref<16x128xi32, #tpu.memory_space<vmem>> -> memref<1x128xi32, #tpu.memory_space<vmem>>
      %dma_start3A_180 = tpu.memref_squeeze %dma_start3A_179 : memref<1x128xi32, #tpu.memory_space<vmem>> -> memref<128xi32, #tpu.memory_space<vmem>>
      %dma_start3A_181 = arith.constant 0 : i32
      %dma_start3A_182 = arith.constant 0 : i32
      %dma_start3A_183 = tpu.memref_slice %arg2[%dma_start3A_181, %dma_start3A_182] : memref<102400x16xf32, #tpu.memory_space<hbm>> -> memref<102400x16xf32, #tpu.memory_space<hbm>>
      tpu.enqueue_indirect_dma source(%dma_start3A_183 : memref<102400x16xf32, #tpu.memory_space<hbm>>) target(%dma_start3A_177 : memref<128x16xf32, #tpu.memory_space<vmem>>) offsets(%dma_start3A_180 : memref<128xi32, #tpu.memory_space<vmem>>) semaphore(%arg11 : memref<!tpu.dma_semaphore, #tpu.memory_space<semaphore_mem>>)
      %dma_start3A_184 = arith.constant 10 : i32
      %dma_start3A_185 = arith.constant 1280 : i32
      %dma_start3A_186 = arith.constant 0 : i32
      %dma_start3A_187 = tpu.memref_slice %arg9[%dma_start3A_185, %dma_start3A_186] : memref<2048x16xf32, #tpu.memory_space<vmem>> -> memref<128x16xf32, #tpu.memory_space<vmem>>
      %dma_start3A_188 = arith.constant 0 : i32
      %dma_start3A_189 = tpu.memref_slice %arg6[%dma_start3A_184, %dma_start3A_188] : memref<16x128xi32, #tpu.memory_space<vmem>> -> memref<1x128xi32, #tpu.memory_space<vmem>>
      %dma_start3A_190 = tpu.memref_squeeze %dma_start3A_189 : memref<1x128xi32, #tpu.memory_space<vmem>> -> memref<128xi32, #tpu.memory_space<vmem>>
      %dma_start3A_191 = arith.constant 0 : i32
      %dma_start3A_192 = arith.constant 0 : i32
      %dma_start3A_193 = tpu.memref_slice %arg2[%dma_start3A_191, %dma_start3A_192] : memref<102400x16xf32, #tpu.memory_space<hbm>> -> memref<102400x16xf32, #tpu.memory_space<hbm>>
      tpu.enqueue_indirect_dma source(%dma_start3A_193 : memref<102400x16xf32, #tpu.memory_space<hbm>>) target(%dma_start3A_187 : memref<128x16xf32, #tpu.memory_space<vmem>>) offsets(%dma_start3A_190 : memref<128xi32, #tpu.memory_space<vmem>>) semaphore(%arg11 : memref<!tpu.dma_semaphore, #tpu.memory_space<semaphore_mem>>)
      %dma_start3A_194 = arith.constant 11 : i32
      %dma_start3A_195 = arith.constant 1408 : i32
      %dma_start3A_196 = arith.constant 0 : i32
      %dma_start3A_197 = tpu.memref_slice %arg9[%dma_start3A_195, %dma_start3A_196] : memref<2048x16xf32, #tpu.memory_space<vmem>> -> memref<128x16xf32, #tpu.memory_space<vmem>>
      %dma_start3A_198 = arith.constant 0 : i32
      %dma_start3A_199 = tpu.memref_slice %arg6[%dma_start3A_194, %dma_start3A_198] : memref<16x128xi32, #tpu.memory_space<vmem>> -> memref<1x128xi32, #tpu.memory_space<vmem>>
      %dma_start3A_200 = tpu.memref_squeeze %dma_start3A_199 : memref<1x128xi32, #tpu.memory_space<vmem>> -> memref<128xi32, #tpu.memory_space<vmem>>
      %dma_start3A_201 = arith.constant 0 : i32
      %dma_start3A_202 = arith.constant 0 : i32
      %dma_start3A_203 = tpu.memref_slice %arg2[%dma_start3A_201, %dma_start3A_202] : memref<102400x16xf32, #tpu.memory_space<hbm>> -> memref<102400x16xf32, #tpu.memory_space<hbm>>
      tpu.enqueue_indirect_dma source(%dma_start3A_203 : memref<102400x16xf32, #tpu.memory_space<hbm>>) target(%dma_start3A_197 : memref<128x16xf32, #tpu.memory_space<vmem>>) offsets(%dma_start3A_200 : memref<128xi32, #tpu.memory_space<vmem>>) semaphore(%arg11 : memref<!tpu.dma_semaphore, #tpu.memory_space<semaphore_mem>>)
      %dma_start3A_204 = arith.constant 12 : i32
      %dma_start3A_205 = arith.constant 1536 : i32
      %dma_start3A_206 = arith.constant 0 : i32
      %dma_start3A_207 = tpu.memref_slice %arg9[%dma_start3A_205, %dma_start3A_206] : memref<2048x16xf32, #tpu.memory_space<vmem>> -> memref<128x16xf32, #tpu.memory_space<vmem>>
      %dma_start3A_208 = arith.constant 0 : i32
      %dma_start3A_209 = tpu.memref_slice %arg6[%dma_start3A_204, %dma_start3A_208] : memref<16x128xi32, #tpu.memory_space<vmem>> -> memref<1x128xi32, #tpu.memory_space<vmem>>
      %dma_start3A_210 = tpu.memref_squeeze %dma_start3A_209 : memref<1x128xi32, #tpu.memory_space<vmem>> -> memref<128xi32, #tpu.memory_space<vmem>>
      %dma_start3A_211 = arith.constant 0 : i32
      %dma_start3A_212 = arith.constant 0 : i32
      %dma_start3A_213 = tpu.memref_slice %arg2[%dma_start3A_211, %dma_start3A_212] : memref<102400x16xf32, #tpu.memory_space<hbm>> -> memref<102400x16xf32, #tpu.memory_space<hbm>>
      tpu.enqueue_indirect_dma source(%dma_start3A_213 : memref<102400x16xf32, #tpu.memory_space<hbm>>) target(%dma_start3A_207 : memref<128x16xf32, #tpu.memory_space<vmem>>) offsets(%dma_start3A_210 : memref<128xi32, #tpu.memory_space<vmem>>) semaphore(%arg11 : memref<!tpu.dma_semaphore, #tpu.memory_space<semaphore_mem>>)
      %dma_start3A_214 = arith.constant 13 : i32
      %dma_start3A_215 = arith.constant 1664 : i32
      %dma_start3A_216 = arith.constant 0 : i32
      %dma_start3A_217 = tpu.memref_slice %arg9[%dma_start3A_215, %dma_start3A_216] : memref<2048x16xf32, #tpu.memory_space<vmem>> -> memref<128x16xf32, #tpu.memory_space<vmem>>
      %dma_start3A_218 = arith.constant 0 : i32
      %dma_start3A_219 = tpu.memref_slice %arg6[%dma_start3A_214, %dma_start3A_218] : memref<16x128xi32, #tpu.memory_space<vmem>> -> memref<1x128xi32, #tpu.memory_space<vmem>>
      %dma_start3A_220 = tpu.memref_squeeze %dma_start3A_219 : memref<1x128xi32, #tpu.memory_space<vmem>> -> memref<128xi32, #tpu.memory_space<vmem>>
      %dma_start3A_221 = arith.constant 0 : i32
      %dma_start3A_222 = arith.constant 0 : i32
      %dma_start3A_223 = tpu.memref_slice %arg2[%dma_start3A_221, %dma_start3A_222] : memref<102400x16xf32, #tpu.memory_space<hbm>> -> memref<102400x16xf32, #tpu.memory_space<hbm>>
      tpu.enqueue_indirect_dma source(%dma_start3A_223 : memref<102400x16xf32, #tpu.memory_space<hbm>>) target(%dma_start3A_217 : memref<128x16xf32, #tpu.memory_space<vmem>>) offsets(%dma_start3A_220 : memref<128xi32, #tpu.memory_space<vmem>>) semaphore(%arg11 : memref<!tpu.dma_semaphore, #tpu.memory_space<semaphore_mem>>)
      %dma_start3A_224 = arith.constant 14 : i32
      %dma_start3A_225 = arith.constant 1792 : i32
      %dma_start3A_226 = arith.constant 0 : i32
      %dma_start3A_227 = tpu.memref_slice %arg9[%dma_start3A_225, %dma_start3A_226] : memref<2048x16xf32, #tpu.memory_space<vmem>> -> memref<128x16xf32, #tpu.memory_space<vmem>>
      %dma_start3A_228 = arith.constant 0 : i32
      %dma_start3A_229 = tpu.memref_slice %arg6[%dma_start3A_224, %dma_start3A_228] : memref<16x128xi32, #tpu.memory_space<vmem>> -> memref<1x128xi32, #tpu.memory_space<vmem>>
      %dma_start3A_230 = tpu.memref_squeeze %dma_start3A_229 : memref<1x128xi32, #tpu.memory_space<vmem>> -> memref<128xi32, #tpu.memory_space<vmem>>
      %dma_start3A_231 = arith.constant 0 : i32
      %dma_start3A_232 = arith.constant 0 : i32
      %dma_start3A_233 = tpu.memref_slice %arg2[%dma_start3A_231, %dma_start3A_232] : memref<102400x16xf32, #tpu.memory_space<hbm>> -> memref<102400x16xf32, #tpu.memory_space<hbm>>
      tpu.enqueue_indirect_dma source(%dma_start3A_233 : memref<102400x16xf32, #tpu.memory_space<hbm>>) target(%dma_start3A_227 : memref<128x16xf32, #tpu.memory_space<vmem>>) offsets(%dma_start3A_230 : memref<128xi32, #tpu.memory_space<vmem>>) semaphore(%arg11 : memref<!tpu.dma_semaphore, #tpu.memory_space<semaphore_mem>>)
      %dma_start3A_234 = arith.constant 15 : i32
      %dma_start3A_235 = arith.constant 1920 : i32
      %dma_start3A_236 = arith.constant 0 : i32
      %dma_start3A_237 = tpu.memref_slice %arg9[%dma_start3A_235, %dma_start3A_236] : memref<2048x16xf32, #tpu.memory_space<vmem>> -> memref<128x16xf32, #tpu.memory_space<vmem>>
      %dma_start3A_238 = arith.constant 0 : i32
      %dma_start3A_239 = tpu.memref_slice %arg6[%dma_start3A_234, %dma_start3A_238] : memref<16x128xi32, #tpu.memory_space<vmem>> -> memref<1x128xi32, #tpu.memory_space<vmem>>
      %dma_start3A_240 = tpu.memref_squeeze %dma_start3A_239 : memref<1x128xi32, #tpu.memory_space<vmem>> -> memref<128xi32, #tpu.memory_space<vmem>>
      %dma_start3A_241 = arith.constant 0 : i32
      %dma_start3A_242 = arith.constant 0 : i32
      %dma_start3A_243 = tpu.memref_slice %arg2[%dma_start3A_241, %dma_start3A_242] : memref<102400x16xf32, #tpu.memory_space<hbm>> -> memref<102400x16xf32, #tpu.memory_space<hbm>>
      tpu.enqueue_indirect_dma source(%dma_start3A_243 : memref<102400x16xf32, #tpu.memory_space<hbm>>) target(%dma_start3A_237 : memref<128x16xf32, #tpu.memory_space<vmem>>) offsets(%dma_start3A_240 : memref<128xi32, #tpu.memory_space<vmem>>) semaphore(%arg11 : memref<!tpu.dma_semaphore, #tpu.memory_space<semaphore_mem>>)
      %dma_wait3A = arith.constant 0 : i32
      %dma_wait3A_244 = arith.constant 0 : i32
      %dma_wait3A_245 = arith.constant 0 : i32
      %dma_wait3A_246 = tpu.memref_slice %arg9[%dma_wait3A_244, %dma_wait3A_245] : memref<2048x16xf32, #tpu.memory_space<vmem>> -> memref<128x16xf32, #tpu.memory_space<vmem>>
      %dma_wait3A_247 = arith.constant 0 : i32
      %dma_wait3A_248 = tpu.memref_slice %arg6[%dma_wait3A, %dma_wait3A_247] : memref<16x128xi32, #tpu.memory_space<vmem>> -> memref<1x128xi32, #tpu.memory_space<vmem>>
      %dma_wait3A_249 = tpu.memref_squeeze %dma_wait3A_248 : memref<1x128xi32, #tpu.memory_space<vmem>> -> memref<128xi32, #tpu.memory_space<vmem>>
      %dma_wait3A_250 = arith.constant 0 : i32
      %dma_wait3A_251 = arith.constant 0 : i32
      %dma_wait3A_252 = tpu.memref_slice %arg2[%dma_wait3A_250, %dma_wait3A_251] : memref<102400x16xf32, #tpu.memory_space<hbm>> -> memref<102400x16xf32, #tpu.memory_space<hbm>>
      tpu.wait_indirect_dma semaphore(%arg11 : memref<!tpu.dma_semaphore, #tpu.memory_space<semaphore_mem>>) src(%dma_wait3A_252 : memref<102400x16xf32, #tpu.memory_space<hbm>>) dst(%dma_wait3A_246 : memref<128x16xf32, #tpu.memory_space<vmem>>)
      %dma_wait3A_253 = arith.constant 1 : i32
      %dma_wait3A_254 = arith.constant 128 : i32
      %dma_wait3A_255 = arith.constant 0 : i32
      %dma_wait3A_256 = tpu.memref_slice %arg9[%dma_wait3A_254, %dma_wait3A_255] : memref<2048x16xf32, #tpu.memory_space<vmem>> -> memref<128x16xf32, #tpu.memory_space<vmem>>
      %dma_wait3A_257 = arith.constant 0 : i32
      %dma_wait3A_258 = tpu.memref_slice %arg6[%dma_wait3A_253, %dma_wait3A_257] : memref<16x128xi32, #tpu.memory_space<vmem>> -> memref<1x128xi32, #tpu.memory_space<vmem>>
      %dma_wait3A_259 = tpu.memref_squeeze %dma_wait3A_258 : memref<1x128xi32, #tpu.memory_space<vmem>> -> memref<128xi32, #tpu.memory_space<vmem>>
      %dma_wait3A_260 = arith.constant 0 : i32
      %dma_wait3A_261 = arith.constant 0 : i32
      %dma_wait3A_262 = tpu.memref_slice %arg2[%dma_wait3A_260, %dma_wait3A_261] : memref<102400x16xf32, #tpu.memory_space<hbm>> -> memref<102400x16xf32, #tpu.memory_space<hbm>>
      tpu.wait_indirect_dma semaphore(%arg11 : memref<!tpu.dma_semaphore, #tpu.memory_space<semaphore_mem>>) src(%dma_wait3A_262 : memref<102400x16xf32, #tpu.memory_space<hbm>>) dst(%dma_wait3A_256 : memref<128x16xf32, #tpu.memory_space<vmem>>)
      %dma_wait3A_263 = arith.constant 2 : i32
      %dma_wait3A_264 = arith.constant 256 : i32
      %dma_wait3A_265 = arith.constant 0 : i32
      %dma_wait3A_266 = tpu.memref_slice %arg9[%dma_wait3A_264, %dma_wait3A_265] : memref<2048x16xf32, #tpu.memory_space<vmem>> -> memref<128x16xf32, #tpu.memory_space<vmem>>
      %dma_wait3A_267 = arith.constant 0 : i32
      %dma_wait3A_268 = tpu.memref_slice %arg6[%dma_wait3A_263, %dma_wait3A_267] : memref<16x128xi32, #tpu.memory_space<vmem>> -> memref<1x128xi32, #tpu.memory_space<vmem>>
      %dma_wait3A_269 = tpu.memref_squeeze %dma_wait3A_268 : memref<1x128xi32, #tpu.memory_space<vmem>> -> memref<128xi32, #tpu.memory_space<vmem>>
      %dma_wait3A_270 = arith.constant 0 : i32
      %dma_wait3A_271 = arith.constant 0 : i32
      %dma_wait3A_272 = tpu.memref_slice %arg2[%dma_wait3A_270, %dma_wait3A_271] : memref<102400x16xf32, #tpu.memory_space<hbm>> -> memref<102400x16xf32, #tpu.memory_space<hbm>>
      tpu.wait_indirect_dma semaphore(%arg11 : memref<!tpu.dma_semaphore, #tpu.memory_space<semaphore_mem>>) src(%dma_wait3A_272 : memref<102400x16xf32, #tpu.memory_space<hbm>>) dst(%dma_wait3A_266 : memref<128x16xf32, #tpu.memory_space<vmem>>)
      %dma_wait3A_273 = arith.constant 3 : i32
      %dma_wait3A_274 = arith.constant 384 : i32
      %dma_wait3A_275 = arith.constant 0 : i32
      %dma_wait3A_276 = tpu.memref_slice %arg9[%dma_wait3A_274, %dma_wait3A_275] : memref<2048x16xf32, #tpu.memory_space<vmem>> -> memref<128x16xf32, #tpu.memory_space<vmem>>
      %dma_wait3A_277 = arith.constant 0 : i32
      %dma_wait3A_278 = tpu.memref_slice %arg6[%dma_wait3A_273, %dma_wait3A_277] : memref<16x128xi32, #tpu.memory_space<vmem>> -> memref<1x128xi32, #tpu.memory_space<vmem>>
      %dma_wait3A_279 = tpu.memref_squeeze %dma_wait3A_278 : memref<1x128xi32, #tpu.memory_space<vmem>> -> memref<128xi32, #tpu.memory_space<vmem>>
      %dma_wait3A_280 = arith.constant 0 : i32
      %dma_wait3A_281 = arith.constant 0 : i32
      %dma_wait3A_282 = tpu.memref_slice %arg2[%dma_wait3A_280, %dma_wait3A_281] : memref<102400x16xf32, #tpu.memory_space<hbm>> -> memref<102400x16xf32, #tpu.memory_space<hbm>>
      tpu.wait_indirect_dma semaphore(%arg11 : memref<!tpu.dma_semaphore, #tpu.memory_space<semaphore_mem>>) src(%dma_wait3A_282 : memref<102400x16xf32, #tpu.memory_space<hbm>>) dst(%dma_wait3A_276 : memref<128x16xf32, #tpu.memory_space<vmem>>)
      %dma_wait3A_283 = arith.constant 4 : i32
      %dma_wait3A_284 = arith.constant 512 : i32
      %dma_wait3A_285 = arith.constant 0 : i32
      %dma_wait3A_286 = tpu.memref_slice %arg9[%dma_wait3A_284, %dma_wait3A_285] : memref<2048x16xf32, #tpu.memory_space<vmem>> -> memref<128x16xf32, #tpu.memory_space<vmem>>
      %dma_wait3A_287 = arith.constant 0 : i32
      %dma_wait3A_288 = tpu.memref_slice %arg6[%dma_wait3A_283, %dma_wait3A_287] : memref<16x128xi32, #tpu.memory_space<vmem>> -> memref<1x128xi32, #tpu.memory_space<vmem>>
      %dma_wait3A_289 = tpu.memref_squeeze %dma_wait3A_288 : memref<1x128xi32, #tpu.memory_space<vmem>> -> memref<128xi32, #tpu.memory_space<vmem>>
      %dma_wait3A_290 = arith.constant 0 : i32
      %dma_wait3A_291 = arith.constant 0 : i32
      %dma_wait3A_292 = tpu.memref_slice %arg2[%dma_wait3A_290, %dma_wait3A_291] : memref<102400x16xf32, #tpu.memory_space<hbm>> -> memref<102400x16xf32, #tpu.memory_space<hbm>>
      tpu.wait_indirect_dma semaphore(%arg11 : memref<!tpu.dma_semaphore, #tpu.memory_space<semaphore_mem>>) src(%dma_wait3A_292 : memref<102400x16xf32, #tpu.memory_space<hbm>>) dst(%dma_wait3A_286 : memref<128x16xf32, #tpu.memory_space<vmem>>)
      %dma_wait3A_293 = arith.constant 5 : i32
      %dma_wait3A_294 = arith.constant 640 : i32
      %dma_wait3A_295 = arith.constant 0 : i32
      %dma_wait3A_296 = tpu.memref_slice %arg9[%dma_wait3A_294, %dma_wait3A_295] : memref<2048x16xf32, #tpu.memory_space<vmem>> -> memref<128x16xf32, #tpu.memory_space<vmem>>
      %dma_wait3A_297 = arith.constant 0 : i32
      %dma_wait3A_298 = tpu.memref_slice %arg6[%dma_wait3A_293, %dma_wait3A_297] : memref<16x128xi32, #tpu.memory_space<vmem>> -> memref<1x128xi32, #tpu.memory_space<vmem>>
      %dma_wait3A_299 = tpu.memref_squeeze %dma_wait3A_298 : memref<1x128xi32, #tpu.memory_space<vmem>> -> memref<128xi32, #tpu.memory_space<vmem>>
      %dma_wait3A_300 = arith.constant 0 : i32
      %dma_wait3A_301 = arith.constant 0 : i32
      %dma_wait3A_302 = tpu.memref_slice %arg2[%dma_wait3A_300, %dma_wait3A_301] : memref<102400x16xf32, #tpu.memory_space<hbm>> -> memref<102400x16xf32, #tpu.memory_space<hbm>>
      tpu.wait_indirect_dma semaphore(%arg11 : memref<!tpu.dma_semaphore, #tpu.memory_space<semaphore_mem>>) src(%dma_wait3A_302 : memref<102400x16xf32, #tpu.memory_space<hbm>>) dst(%dma_wait3A_296 : memref<128x16xf32, #tpu.memory_space<vmem>>)
      %dma_wait3A_303 = arith.constant 6 : i32
      %dma_wait3A_304 = arith.constant 768 : i32
      %dma_wait3A_305 = arith.constant 0 : i32
      %dma_wait3A_306 = tpu.memref_slice %arg9[%dma_wait3A_304, %dma_wait3A_305] : memref<2048x16xf32, #tpu.memory_space<vmem>> -> memref<128x16xf32, #tpu.memory_space<vmem>>
      %dma_wait3A_307 = arith.constant 0 : i32
      %dma_wait3A_308 = tpu.memref_slice %arg6[%dma_wait3A_303, %dma_wait3A_307] : memref<16x128xi32, #tpu.memory_space<vmem>> -> memref<1x128xi32, #tpu.memory_space<vmem>>
      %dma_wait3A_309 = tpu.memref_squeeze %dma_wait3A_308 : memref<1x128xi32, #tpu.memory_space<vmem>> -> memref<128xi32, #tpu.memory_space<vmem>>
      %dma_wait3A_310 = arith.constant 0 : i32
      %dma_wait3A_311 = arith.constant 0 : i32
      %dma_wait3A_312 = tpu.memref_slice %arg2[%dma_wait3A_310, %dma_wait3A_311] : memref<102400x16xf32, #tpu.memory_space<hbm>> -> memref<102400x16xf32, #tpu.memory_space<hbm>>
      tpu.wait_indirect_dma semaphore(%arg11 : memref<!tpu.dma_semaphore, #tpu.memory_space<semaphore_mem>>) src(%dma_wait3A_312 : memref<102400x16xf32, #tpu.memory_space<hbm>>) dst(%dma_wait3A_306 : memref<128x16xf32, #tpu.memory_space<vmem>>)
      %dma_wait3A_313 = arith.constant 7 : i32
      %dma_wait3A_314 = arith.constant 896 : i32
      %dma_wait3A_315 = arith.constant 0 : i32
      %dma_wait3A_316 = tpu.memref_slice %arg9[%dma_wait3A_314, %dma_wait3A_315] : memref<2048x16xf32, #tpu.memory_space<vmem>> -> memref<128x16xf32, #tpu.memory_space<vmem>>
      %dma_wait3A_317 = arith.constant 0 : i32
      %dma_wait3A_318 = tpu.memref_slice %arg6[%dma_wait3A_313, %dma_wait3A_317] : memref<16x128xi32, #tpu.memory_space<vmem>> -> memref<1x128xi32, #tpu.memory_space<vmem>>
      %dma_wait3A_319 = tpu.memref_squeeze %dma_wait3A_318 : memref<1x128xi32, #tpu.memory_space<vmem>> -> memref<128xi32, #tpu.memory_space<vmem>>
      %dma_wait3A_320 = arith.constant 0 : i32
      %dma_wait3A_321 = arith.constant 0 : i32
      %dma_wait3A_322 = tpu.memref_slice %arg2[%dma_wait3A_320, %dma_wait3A_321] : memref<102400x16xf32, #tpu.memory_space<hbm>> -> memref<102400x16xf32, #tpu.memory_space<hbm>>
      tpu.wait_indirect_dma semaphore(%arg11 : memref<!tpu.dma_semaphore, #tpu.memory_space<semaphore_mem>>) src(%dma_wait3A_322 : memref<102400x16xf32, #tpu.memory_space<hbm>>) dst(%dma_wait3A_316 : memref<128x16xf32, #tpu.memory_space<vmem>>)
      %dma_wait3A_323 = arith.constant 8 : i32
      %dma_wait3A_324 = arith.constant 1024 : i32
      %dma_wait3A_325 = arith.constant 0 : i32
      %dma_wait3A_326 = tpu.memref_slice %arg9[%dma_wait3A_324, %dma_wait3A_325] : memref<2048x16xf32, #tpu.memory_space<vmem>> -> memref<128x16xf32, #tpu.memory_space<vmem>>
      %dma_wait3A_327 = arith.constant 0 : i32
      %dma_wait3A_328 = tpu.memref_slice %arg6[%dma_wait3A_323, %dma_wait3A_327] : memref<16x128xi32, #tpu.memory_space<vmem>> -> memref<1x128xi32, #tpu.memory_space<vmem>>
      %dma_wait3A_329 = tpu.memref_squeeze %dma_wait3A_328 : memref<1x128xi32, #tpu.memory_space<vmem>> -> memref<128xi32, #tpu.memory_space<vmem>>
      %dma_wait3A_330 = arith.constant 0 : i32
      %dma_wait3A_331 = arith.constant 0 : i32
      %dma_wait3A_332 = tpu.memref_slice %arg2[%dma_wait3A_330, %dma_wait3A_331] : memref<102400x16xf32, #tpu.memory_space<hbm>> -> memref<102400x16xf32, #tpu.memory_space<hbm>>
      tpu.wait_indirect_dma semaphore(%arg11 : memref<!tpu.dma_semaphore, #tpu.memory_space<semaphore_mem>>) src(%dma_wait3A_332 : memref<102400x16xf32, #tpu.memory_space<hbm>>) dst(%dma_wait3A_326 : memref<128x16xf32, #tpu.memory_space<vmem>>)
      %dma_wait3A_333 = arith.constant 9 : i32
      %dma_wait3A_334 = arith.constant 1152 : i32
      %dma_wait3A_335 = arith.constant 0 : i32
      %dma_wait3A_336 = tpu.memref_slice %arg9[%dma_wait3A_334, %dma_wait3A_335] : memref<2048x16xf32, #tpu.memory_space<vmem>> -> memref<128x16xf32, #tpu.memory_space<vmem>>
      %dma_wait3A_337 = arith.constant 0 : i32
      %dma_wait3A_338 = tpu.memref_slice %arg6[%dma_wait3A_333, %dma_wait3A_337] : memref<16x128xi32, #tpu.memory_space<vmem>> -> memref<1x128xi32, #tpu.memory_space<vmem>>
      %dma_wait3A_339 = tpu.memref_squeeze %dma_wait3A_338 : memref<1x128xi32, #tpu.memory_space<vmem>> -> memref<128xi32, #tpu.memory_space<vmem>>
      %dma_wait3A_340 = arith.constant 0 : i32
      %dma_wait3A_341 = arith.constant 0 : i32
      %dma_wait3A_342 = tpu.memref_slice %arg2[%dma_wait3A_340, %dma_wait3A_341] : memref<102400x16xf32, #tpu.memory_space<hbm>> -> memref<102400x16xf32, #tpu.memory_space<hbm>>
      tpu.wait_indirect_dma semaphore(%arg11 : memref<!tpu.dma_semaphore, #tpu.memory_space<semaphore_mem>>) src(%dma_wait3A_342 : memref<102400x16xf32, #tpu.memory_space<hbm>>) dst(%dma_wait3A_336 : memref<128x16xf32, #tpu.memory_space<vmem>>)
      %dma_wait3A_343 = arith.constant 10 : i32
      %dma_wait3A_344 = arith.constant 1280 : i32
      %dma_wait3A_345 = arith.constant 0 : i32
      %dma_wait3A_346 = tpu.memref_slice %arg9[%dma_wait3A_344, %dma_wait3A_345] : memref<2048x16xf32, #tpu.memory_space<vmem>> -> memref<128x16xf32, #tpu.memory_space<vmem>>
      %dma_wait3A_347 = arith.constant 0 : i32
      %dma_wait3A_348 = tpu.memref_slice %arg6[%dma_wait3A_343, %dma_wait3A_347] : memref<16x128xi32, #tpu.memory_space<vmem>> -> memref<1x128xi32, #tpu.memory_space<vmem>>
      %dma_wait3A_349 = tpu.memref_squeeze %dma_wait3A_348 : memref<1x128xi32, #tpu.memory_space<vmem>> -> memref<128xi32, #tpu.memory_space<vmem>>
      %dma_wait3A_350 = arith.constant 0 : i32
      %dma_wait3A_351 = arith.constant 0 : i32
      %dma_wait3A_352 = tpu.memref_slice %arg2[%dma_wait3A_350, %dma_wait3A_351] : memref<102400x16xf32, #tpu.memory_space<hbm>> -> memref<102400x16xf32, #tpu.memory_space<hbm>>
      tpu.wait_indirect_dma semaphore(%arg11 : memref<!tpu.dma_semaphore, #tpu.memory_space<semaphore_mem>>) src(%dma_wait3A_352 : memref<102400x16xf32, #tpu.memory_space<hbm>>) dst(%dma_wait3A_346 : memref<128x16xf32, #tpu.memory_space<vmem>>)
      %dma_wait3A_353 = arith.constant 11 : i32
      %dma_wait3A_354 = arith.constant 1408 : i32
      %dma_wait3A_355 = arith.constant 0 : i32
      %dma_wait3A_356 = tpu.memref_slice %arg9[%dma_wait3A_354, %dma_wait3A_355] : memref<2048x16xf32, #tpu.memory_space<vmem>> -> memref<128x16xf32, #tpu.memory_space<vmem>>
      %dma_wait3A_357 = arith.constant 0 : i32
      %dma_wait3A_358 = tpu.memref_slice %arg6[%dma_wait3A_353, %dma_wait3A_357] : memref<16x128xi32, #tpu.memory_space<vmem>> -> memref<1x128xi32, #tpu.memory_space<vmem>>
      %dma_wait3A_359 = tpu.memref_squeeze %dma_wait3A_358 : memref<1x128xi32, #tpu.memory_space<vmem>> -> memref<128xi32, #tpu.memory_space<vmem>>
      %dma_wait3A_360 = arith.constant 0 : i32
      %dma_wait3A_361 = arith.constant 0 : i32
      %dma_wait3A_362 = tpu.memref_slice %arg2[%dma_wait3A_360, %dma_wait3A_361] : memref<102400x16xf32, #tpu.memory_space<hbm>> -> memref<102400x16xf32, #tpu.memory_space<hbm>>
      tpu.wait_indirect_dma semaphore(%arg11 : memref<!tpu.dma_semaphore, #tpu.memory_space<semaphore_mem>>) src(%dma_wait3A_362 : memref<102400x16xf32, #tpu.memory_space<hbm>>) dst(%dma_wait3A_356 : memref<128x16xf32, #tpu.memory_space<vmem>>)
      %dma_wait3A_363 = arith.constant 12 : i32
      %dma_wait3A_364 = arith.constant 1536 : i32
      %dma_wait3A_365 = arith.constant 0 : i32
      %dma_wait3A_366 = tpu.memref_slice %arg9[%dma_wait3A_364, %dma_wait3A_365] : memref<2048x16xf32, #tpu.memory_space<vmem>> -> memref<128x16xf32, #tpu.memory_space<vmem>>
      %dma_wait3A_367 = arith.constant 0 : i32
      %dma_wait3A_368 = tpu.memref_slice %arg6[%dma_wait3A_363, %dma_wait3A_367] : memref<16x128xi32, #tpu.memory_space<vmem>> -> memref<1x128xi32, #tpu.memory_space<vmem>>
      %dma_wait3A_369 = tpu.memref_squeeze %dma_wait3A_368 : memref<1x128xi32, #tpu.memory_space<vmem>> -> memref<128xi32, #tpu.memory_space<vmem>>
      %dma_wait3A_370 = arith.constant 0 : i32
      %dma_wait3A_371 = arith.constant 0 : i32
      %dma_wait3A_372 = tpu.memref_slice %arg2[%dma_wait3A_370, %dma_wait3A_371] : memref<102400x16xf32, #tpu.memory_space<hbm>> -> memref<102400x16xf32, #tpu.memory_space<hbm>>
      tpu.wait_indirect_dma semaphore(%arg11 : memref<!tpu.dma_semaphore, #tpu.memory_space<semaphore_mem>>) src(%dma_wait3A_372 : memref<102400x16xf32, #tpu.memory_space<hbm>>) dst(%dma_wait3A_366 : memref<128x16xf32, #tpu.memory_space<vmem>>)
      %dma_wait3A_373 = arith.constant 13 : i32
      %dma_wait3A_374 = arith.constant 1664 : i32
      %dma_wait3A_375 = arith.constant 0 : i32
      %dma_wait3A_376 = tpu.memref_slice %arg9[%dma_wait3A_374, %dma_wait3A_375] : memref<2048x16xf32, #tpu.memory_space<vmem>> -> memref<128x16xf32, #tpu.memory_space<vmem>>
      %dma_wait3A_377 = arith.constant 0 : i32
      %dma_wait3A_378 = tpu.memref_slice %arg6[%dma_wait3A_373, %dma_wait3A_377] : memref<16x128xi32, #tpu.memory_space<vmem>> -> memref<1x128xi32, #tpu.memory_space<vmem>>
      %dma_wait3A_379 = tpu.memref_squeeze %dma_wait3A_378 : memref<1x128xi32, #tpu.memory_space<vmem>> -> memref<128xi32, #tpu.memory_space<vmem>>
      %dma_wait3A_380 = arith.constant 0 : i32
      %dma_wait3A_381 = arith.constant 0 : i32
      %dma_wait3A_382 = tpu.memref_slice %arg2[%dma_wait3A_380, %dma_wait3A_381] : memref<102400x16xf32, #tpu.memory_space<hbm>> -> memref<102400x16xf32, #tpu.memory_space<hbm>>
      tpu.wait_indirect_dma semaphore(%arg11 : memref<!tpu.dma_semaphore, #tpu.memory_space<semaphore_mem>>) src(%dma_wait3A_382 : memref<102400x16xf32, #tpu.memory_space<hbm>>) dst(%dma_wait3A_376 : memref<128x16xf32, #tpu.memory_space<vmem>>)
      %dma_wait3A_383 = arith.constant 14 : i32
      %dma_wait3A_384 = arith.constant 1792 : i32
      %dma_wait3A_385 = arith.constant 0 : i32
      %dma_wait3A_386 = tpu.memref_slice %arg9[%dma_wait3A_384, %dma_wait3A_385] : memref<2048x16xf32, #tpu.memory_space<vmem>> -> memref<128x16xf32, #tpu.memory_space<vmem>>
      %dma_wait3A_387 = arith.constant 0 : i32
      %dma_wait3A_388 = tpu.memref_slice %arg6[%dma_wait3A_383, %dma_wait3A_387] : memref<16x128xi32, #tpu.memory_space<vmem>> -> memref<1x128xi32, #tpu.memory_space<vmem>>
      %dma_wait3A_389 = tpu.memref_squeeze %dma_wait3A_388 : memref<1x128xi32, #tpu.memory_space<vmem>> -> memref<128xi32, #tpu.memory_space<vmem>>
      %dma_wait3A_390 = arith.constant 0 : i32
      %dma_wait3A_391 = arith.constant 0 : i32
      %dma_wait3A_392 = tpu.memref_slice %arg2[%dma_wait3A_390, %dma_wait3A_391] : memref<102400x16xf32, #tpu.memory_space<hbm>> -> memref<102400x16xf32, #tpu.memory_space<hbm>>
      tpu.wait_indirect_dma semaphore(%arg11 : memref<!tpu.dma_semaphore, #tpu.memory_space<semaphore_mem>>) src(%dma_wait3A_392 : memref<102400x16xf32, #tpu.memory_space<hbm>>) dst(%dma_wait3A_386 : memref<128x16xf32, #tpu.memory_space<vmem>>)
      %dma_wait3A_393 = arith.constant 15 : i32
      %dma_wait3A_394 = arith.constant 1920 : i32
      %dma_wait3A_395 = arith.constant 0 : i32
      %dma_wait3A_396 = tpu.memref_slice %arg9[%dma_wait3A_394, %dma_wait3A_395] : memref<2048x16xf32, #tpu.memory_space<vmem>> -> memref<128x16xf32, #tpu.memory_space<vmem>>
      %dma_wait3A_397 = arith.constant 0 : i32
      %dma_wait3A_398 = tpu.memref_slice %arg6[%dma_wait3A_393, %dma_wait3A_397] : memref<16x128xi32, #tpu.memory_space<vmem>> -> memref<1x128xi32, #tpu.memory_space<vmem>>
      %dma_wait3A_399 = tpu.memref_squeeze %dma_wait3A_398 : memref<1x128xi32, #tpu.memory_space<vmem>> -> memref<128xi32, #tpu.memory_space<vmem>>
      %dma_wait3A_400 = arith.constant 0 : i32
      %dma_wait3A_401 = arith.constant 0 : i32
      %dma_wait3A_402 = tpu.memref_slice %arg2[%dma_wait3A_400, %dma_wait3A_401] : memref<102400x16xf32, #tpu.memory_space<hbm>> -> memref<102400x16xf32, #tpu.memory_space<hbm>>
      tpu.wait_indirect_dma semaphore(%arg11 : memref<!tpu.dma_semaphore, #tpu.memory_space<semaphore_mem>>) src(%dma_wait3A_402 : memref<102400x16xf32, #tpu.memory_space<hbm>>) dst(%dma_wait3A_396 : memref<128x16xf32, #tpu.memory_space<vmem>>)
      %scan3A_403 = arith.constant 0 : i32
      %scan3A_404 = arith.constant 128 : i32
      %scan3A_405 = arith.addi %scan3A_403, %scan3A_404 : i32
      %scan3A_406 = arith.constant 1 : i32
      %scan3A_407 = scf.for %scan3A_409 = %scan3A_403 to %scan3A_405 step %scan3A_406 iter_args(%scan3A_410 = %scan3A_61) -> (vector<16xf32>)  : i32 {
        %get3A = arith.index_cast %scan3A_409 : i32 to index
        %get3A_411 = arith.constant 0 : index
        %get3A_412 = tpu.vector_load %arg8[%get3A, %get3A_411] {strides = array<i32>} : memref<128x16xf32, #tpu.memory_space<vmem>>, vector<1x16xf32>,
        %get3A_413 = vector.shape_cast %get3A_412 : vector<1x16xf32> to vector<16xf32>
        %get3A_414 = arith.index_cast %scan3A_409 : i32 to index
        %get3A_415 = arith.constant 0 : index
        %get3A_416 = tpu.vector_load %arg7[%get3A_414, %get3A_415] {strides = array<i32>} : memref<128x16xf32, #tpu.memory_space<vmem>>, vector<1x16xf32>,
        %get3A_417 = vector.shape_cast %get3A_416 : vector<1x16xf32> to vector<16xf32>
        %slice3A = vector.extract_strided_slice %get3A_417 {offsets = [0], sizes = [1], strides = [1]} : vector<16xf32> to vector<1xf32>
        %squeeze3A = vector.extract %slice3A[0] : f32 from vector<1xf32>
        %mul3A_418 = arith.constant 16 : i32
        %mul3A_419 = arith.muli %scan3A_409, %mul3A_418 : i32
        %add3A_420 = arith.constant 0 : i32
        %add3A_421 = arith.addi %mul3A_419, %add3A_420 : i32
        %get3A_422 = arith.index_cast %add3A_421 : i32 to index
        %get3A_423 = arith.constant 0 : index
        %get3A_424 = tpu.vector_load %arg9[%get3A_422, %get3A_423] {strides = array<i32>} : memref<2048x16xf32, #tpu.memory_space<vmem>>, vector<1x16xf32>,
        %get3A_425 = vector.shape_cast %get3A_424 : vector<1x16xf32> to vector<16xf32>
        %mul3A_426 = vector.broadcast %squeeze3A : f32 to vector<16xf32>
        %mul3A_427 = arith.mulf %mul3A_426, %get3A_425 : vector<16xf32>
        %add3A_428 = arith.addf %get3A_413, %mul3A_427 : vector<16xf32>
        %slice3A_429 = vector.extract_strided_slice %get3A_417 {offsets = [1], sizes = [1], strides = [1]} : vector<16xf32> to vector<1xf32>
        %squeeze3A_430 = vector.extract %slice3A_429[0] : f32 from vector<1xf32>
        %mul3A_431 = arith.constant 16 : i32
        %mul3A_432 = arith.muli %scan3A_409, %mul3A_431 : i32
        %add3A_433 = arith.constant 1 : i32
        %add3A_434 = arith.addi %mul3A_432, %add3A_433 : i32
        %get3A_435 = arith.index_cast %add3A_434 : i32 to index
        %get3A_436 = arith.constant 0 : index
        %get3A_437 = tpu.vector_load %arg9[%get3A_435, %get3A_436] {strides = array<i32>} : memref<2048x16xf32, #tpu.memory_space<vmem>>, vector<1x16xf32>,
        %get3A_438 = vector.shape_cast %get3A_437 : vector<1x16xf32> to vector<16xf32>
        %mul3A_439 = vector.broadcast %squeeze3A_430 : f32 to vector<16xf32>
        %mul3A_440 = arith.mulf %mul3A_439, %get3A_438 : vector<16xf32>
        %add3A_441 = arith.addf %add3A_428, %mul3A_440 : vector<16xf32>
        %slice3A_442 = vector.extract_strided_slice %get3A_417 {offsets = [2], sizes = [1], strides = [1]} : vector<16xf32> to vector<1xf32>
        %squeeze3A_443 = vector.extract %slice3A_442[0] : f32 from vector<1xf32>
        %mul3A_444 = arith.constant 16 : i32
        %mul3A_445 = arith.muli %scan3A_409, %mul3A_444 : i32
        %add3A_446 = arith.constant 2 : i32
        %add3A_447 = arith.addi %mul3A_445, %add3A_446 : i32
        %get3A_448 = arith.index_cast %add3A_447 : i32 to index
        %get3A_449 = arith.constant 0 : index
        %get3A_450 = tpu.vector_load %arg9[%get3A_448, %get3A_449] {strides = array<i32>} : memref<2048x16xf32, #tpu.memory_space<vmem>>, vector<1x16xf32>,
        %get3A_451 = vector.shape_cast %get3A_450 : vector<1x16xf32> to vector<16xf32>
        %mul3A_452 = vector.broadcast %squeeze3A_443 : f32 to vector<16xf32>
        %mul3A_453 = arith.mulf %mul3A_452, %get3A_451 : vector<16xf32>
        %add3A_454 = arith.addf %add3A_441, %mul3A_453 : vector<16xf32>
        %slice3A_455 = vector.extract_strided_slice %get3A_417 {offsets = [3], sizes = [1], strides = [1]} : vector<16xf32> to vector<1xf32>
        %squeeze3A_456 = vector.extract %slice3A_455[0] : f32 from vector<1xf32>
        %mul3A_457 = arith.constant 16 : i32
        %mul3A_458 = arith.muli %scan3A_409, %mul3A_457 : i32
        %add3A_459 = arith.constant 3 : i32
        %add3A_460 = arith.addi %mul3A_458, %add3A_459 : i32
        %get3A_461 = arith.index_cast %add3A_460 : i32 to index
        %get3A_462 = arith.constant 0 : index
        %get3A_463 = tpu.vector_load %arg9[%get3A_461, %get3A_462] {strides = array<i32>} : memref<2048x16xf32, #tpu.memory_space<vmem>>, vector<1x16xf32>,
        %get3A_464 = vector.shape_cast %get3A_463 : vector<1x16xf32> to vector<16xf32>
        %mul3A_465 = vector.broadcast %squeeze3A_456 : f32 to vector<16xf32>
        %mul3A_466 = arith.mulf %mul3A_465, %get3A_464 : vector<16xf32>
        %add3A_467 = arith.addf %add3A_454, %mul3A_466 : vector<16xf32>
        %slice3A_468 = vector.extract_strided_slice %get3A_417 {offsets = [4], sizes = [1], strides = [1]} : vector<16xf32> to vector<1xf32>
        %squeeze3A_469 = vector.extract %slice3A_468[0] : f32 from vector<1xf32>
        %mul3A_470 = arith.constant 16 : i32
        %mul3A_471 = arith.muli %scan3A_409, %mul3A_470 : i32
        %add3A_472 = arith.constant 4 : i32
        %add3A_473 = arith.addi %mul3A_471, %add3A_472 : i32
        %get3A_474 = arith.index_cast %add3A_473 : i32 to index
        %get3A_475 = arith.constant 0 : index
        %get3A_476 = tpu.vector_load %arg9[%get3A_474, %get3A_475] {strides = array<i32>} : memref<2048x16xf32, #tpu.memory_space<vmem>>, vector<1x16xf32>,
        %get3A_477 = vector.shape_cast %get3A_476 : vector<1x16xf32> to vector<16xf32>
        %mul3A_478 = vector.broadcast %squeeze3A_469 : f32 to vector<16xf32>
        %mul3A_479 = arith.mulf %mul3A_478, %get3A_477 : vector<16xf32>
        %add3A_480 = arith.addf %add3A_467, %mul3A_479 : vector<16xf32>
        %slice3A_481 = vector.extract_strided_slice %get3A_417 {offsets = [5], sizes = [1], strides = [1]} : vector<16xf32> to vector<1xf32>
        %squeeze3A_482 = vector.extract %slice3A_481[0] : f32 from vector<1xf32>
        %mul3A_483 = arith.constant 16 : i32
        %mul3A_484 = arith.muli %scan3A_409, %mul3A_483 : i32
        %add3A_485 = arith.constant 5 : i32
        %add3A_486 = arith.addi %mul3A_484, %add3A_485 : i32
        %get3A_487 = arith.index_cast %add3A_486 : i32 to index
        %get3A_488 = arith.constant 0 : index
        %get3A_489 = tpu.vector_load %arg9[%get3A_487, %get3A_488] {strides = array<i32>} : memref<2048x16xf32, #tpu.memory_space<vmem>>, vector<1x16xf32>,
        %get3A_490 = vector.shape_cast %get3A_489 : vector<1x16xf32> to vector<16xf32>
        %mul3A_491 = vector.broadcast %squeeze3A_482 : f32 to vector<16xf32>
        %mul3A_492 = arith.mulf %mul3A_491, %get3A_490 : vector<16xf32>
        %add3A_493 = arith.addf %add3A_480, %mul3A_492 : vector<16xf32>
        %slice3A_494 = vector.extract_strided_slice %get3A_417 {offsets = [6], sizes = [1], strides = [1]} : vector<16xf32> to vector<1xf32>
        %squeeze3A_495 = vector.extract %slice3A_494[0] : f32 from vector<1xf32>
        %mul3A_496 = arith.constant 16 : i32
        %mul3A_497 = arith.muli %scan3A_409, %mul3A_496 : i32
        %add3A_498 = arith.constant 6 : i32
        %add3A_499 = arith.addi %mul3A_497, %add3A_498 : i32
        %get3A_500 = arith.index_cast %add3A_499 : i32 to index
        %get3A_501 = arith.constant 0 : index
        %get3A_502 = tpu.vector_load %arg9[%get3A_500, %get3A_501] {strides = array<i32>} : memref<2048x16xf32, #tpu.memory_space<vmem>>, vector<1x16xf32>,
        %get3A_503 = vector.shape_cast %get3A_502 : vector<1x16xf32> to vector<16xf32>
        %mul3A_504 = vector.broadcast %squeeze3A_495 : f32 to vector<16xf32>
        %mul3A_505 = arith.mulf %mul3A_504, %get3A_503 : vector<16xf32>
        %add3A_506 = arith.addf %add3A_493, %mul3A_505 : vector<16xf32>
        %slice3A_507 = vector.extract_strided_slice %get3A_417 {offsets = [7], sizes = [1], strides = [1]} : vector<16xf32> to vector<1xf32>
        %squeeze3A_508 = vector.extract %slice3A_507[0] : f32 from vector<1xf32>
        %mul3A_509 = arith.constant 16 : i32
        %mul3A_510 = arith.muli %scan3A_409, %mul3A_509 : i32
        %add3A_511 = arith.constant 7 : i32
        %add3A_512 = arith.addi %mul3A_510, %add3A_511 : i32
        %get3A_513 = arith.index_cast %add3A_512 : i32 to index
        %get3A_514 = arith.constant 0 : index
        %get3A_515 = tpu.vector_load %arg9[%get3A_513, %get3A_514] {strides = array<i32>} : memref<2048x16xf32, #tpu.memory_space<vmem>>, vector<1x16xf32>,
        %get3A_516 = vector.shape_cast %get3A_515 : vector<1x16xf32> to vector<16xf32>
        %mul3A_517 = vector.broadcast %squeeze3A_508 : f32 to vector<16xf32>
        %mul3A_518 = arith.mulf %mul3A_517, %get3A_516 : vector<16xf32>
        %add3A_519 = arith.addf %add3A_506, %mul3A_518 : vector<16xf32>
        %slice3A_520 = vector.extract_strided_slice %get3A_417 {offsets = [8], sizes = [1], strides = [1]} : vector<16xf32> to vector<1xf32>
        %squeeze3A_521 = vector.extract %slice3A_520[0] : f32 from vector<1xf32>
        %mul3A_522 = arith.constant 16 : i32
        %mul3A_523 = arith.muli %scan3A_409, %mul3A_522 : i32
        %add3A_524 = arith.constant 8 : i32
        %add3A_525 = arith.addi %mul3A_523, %add3A_524 : i32
        %get3A_526 = arith.index_cast %add3A_525 : i32 to index
        %get3A_527 = arith.constant 0 : index
        %get3A_528 = tpu.vector_load %arg9[%get3A_526, %get3A_527] {strides = array<i32>} : memref<2048x16xf32, #tpu.memory_space<vmem>>, vector<1x16xf32>,
        %get3A_529 = vector.shape_cast %get3A_528 : vector<1x16xf32> to vector<16xf32>
        %mul3A_530 = vector.broadcast %squeeze3A_521 : f32 to vector<16xf32>
        %mul3A_531 = arith.mulf %mul3A_530, %get3A_529 : vector<16xf32>
        %add3A_532 = arith.addf %add3A_519, %mul3A_531 : vector<16xf32>
        %slice3A_533 = vector.extract_strided_slice %get3A_417 {offsets = [9], sizes = [1], strides = [1]} : vector<16xf32> to vector<1xf32>
        %squeeze3A_534 = vector.extract %slice3A_533[0] : f32 from vector<1xf32>
        %mul3A_535 = arith.constant 16 : i32
        %mul3A_536 = arith.muli %scan3A_409, %mul3A_535 : i32
        %add3A_537 = arith.constant 9 : i32
        %add3A_538 = arith.addi %mul3A_536, %add3A_537 : i32
        %get3A_539 = arith.index_cast %add3A_538 : i32 to index
        %get3A_540 = arith.constant 0 : index
        %get3A_541 = tpu.vector_load %arg9[%get3A_539, %get3A_540] {strides = array<i32>} : memref<2048x16xf32, #tpu.memory_space<vmem>>, vector<1x16xf32>,
        %get3A_542 = vector.shape_cast %get3A_541 : vector<1x16xf32> to vector<16xf32>
        %mul3A_543 = vector.broadcast %squeeze3A_534 : f32 to vector<16xf32>
        %mul3A_544 = arith.mulf %mul3A_543, %get3A_542 : vector<16xf32>
        %add3A_545 = arith.addf %add3A_532, %mul3A_544 : vector<16xf32>
        %slice3A_546 = vector.extract_strided_slice %get3A_417 {offsets = [10], sizes = [1], strides = [1]} : vector<16xf32> to vector<1xf32>
        %squeeze3A_547 = vector.extract %slice3A_546[0] : f32 from vector<1xf32>
        %mul3A_548 = arith.constant 16 : i32
        %mul3A_549 = arith.muli %scan3A_409, %mul3A_548 : i32
        %add3A_550 = arith.constant 10 : i32
        %add3A_551 = arith.addi %mul3A_549, %add3A_550 : i32
        %get3A_552 = arith.index_cast %add3A_551 : i32 to index
        %get3A_553 = arith.constant 0 : index
        %get3A_554 = tpu.vector_load %arg9[%get3A_552, %get3A_553] {strides = array<i32>} : memref<2048x16xf32, #tpu.memory_space<vmem>>, vector<1x16xf32>,
        %get3A_555 = vector.shape_cast %get3A_554 : vector<1x16xf32> to vector<16xf32>
        %mul3A_556 = vector.broadcast %squeeze3A_547 : f32 to vector<16xf32>
        %mul3A_557 = arith.mulf %mul3A_556, %get3A_555 : vector<16xf32>
        %add3A_558 = arith.addf %add3A_545, %mul3A_557 : vector<16xf32>
        %slice3A_559 = vector.extract_strided_slice %get3A_417 {offsets = [11], sizes = [1], strides = [1]} : vector<16xf32> to vector<1xf32>
        %squeeze3A_560 = vector.extract %slice3A_559[0] : f32 from vector<1xf32>
        %mul3A_561 = arith.constant 16 : i32
        %mul3A_562 = arith.muli %scan3A_409, %mul3A_561 : i32
        %add3A_563 = arith.constant 11 : i32
        %add3A_564 = arith.addi %mul3A_562, %add3A_563 : i32
        %get3A_565 = arith.index_cast %add3A_564 : i32 to index
        %get3A_566 = arith.constant 0 : index
        %get3A_567 = tpu.vector_load %arg9[%get3A_565, %get3A_566] {strides = array<i32>} : memref<2048x16xf32, #tpu.memory_space<vmem>>, vector<1x16xf32>,
        %get3A_568 = vector.shape_cast %get3A_567 : vector<1x16xf32> to vector<16xf32>
        %mul3A_569 = vector.broadcast %squeeze3A_560 : f32 to vector<16xf32>
        %mul3A_570 = arith.mulf %mul3A_569, %get3A_568 : vector<16xf32>
        %add3A_571 = arith.addf %add3A_558, %mul3A_570 : vector<16xf32>
        %slice3A_572 = vector.extract_strided_slice %get3A_417 {offsets = [12], sizes = [1], strides = [1]} : vector<16xf32> to vector<1xf32>
        %squeeze3A_573 = vector.extract %slice3A_572[0] : f32 from vector<1xf32>
        %mul3A_574 = arith.constant 16 : i32
        %mul3A_575 = arith.muli %scan3A_409, %mul3A_574 : i32
        %add3A_576 = arith.constant 12 : i32
        %add3A_577 = arith.addi %mul3A_575, %add3A_576 : i32
        %get3A_578 = arith.index_cast %add3A_577 : i32 to index
        %get3A_579 = arith.constant 0 : index
        %get3A_580 = tpu.vector_load %arg9[%get3A_578, %get3A_579] {strides = array<i32>} : memref<2048x16xf32, #tpu.memory_space<vmem>>, vector<1x16xf32>,
        %get3A_581 = vector.shape_cast %get3A_580 : vector<1x16xf32> to vector<16xf32>
        %mul3A_582 = vector.broadcast %squeeze3A_573 : f32 to vector<16xf32>
        %mul3A_583 = arith.mulf %mul3A_582, %get3A_581 : vector<16xf32>
        %add3A_584 = arith.addf %add3A_571, %mul3A_583 : vector<16xf32>
        %slice3A_585 = vector.extract_strided_slice %get3A_417 {offsets = [13], sizes = [1], strides = [1]} : vector<16xf32> to vector<1xf32>
        %squeeze3A_586 = vector.extract %slice3A_585[0] : f32 from vector<1xf32>
        %mul3A_587 = arith.constant 16 : i32
        %mul3A_588 = arith.muli %scan3A_409, %mul3A_587 : i32
        %add3A_589 = arith.constant 13 : i32
        %add3A_590 = arith.addi %mul3A_588, %add3A_589 : i32
        %get3A_591 = arith.index_cast %add3A_590 : i32 to index
        %get3A_592 = arith.constant 0 : index
        %get3A_593 = tpu.vector_load %arg9[%get3A_591, %get3A_592] {strides = array<i32>} : memref<2048x16xf32, #tpu.memory_space<vmem>>, vector<1x16xf32>,
        %get3A_594 = vector.shape_cast %get3A_593 : vector<1x16xf32> to vector<16xf32>
        %mul3A_595 = vector.broadcast %squeeze3A_586 : f32 to vector<16xf32>
        %mul3A_596 = arith.mulf %mul3A_595, %get3A_594 : vector<16xf32>
        %add3A_597 = arith.addf %add3A_584, %mul3A_596 : vector<16xf32>
        %slice3A_598 = vector.extract_strided_slice %get3A_417 {offsets = [14], sizes = [1], strides = [1]} : vector<16xf32> to vector<1xf32>
        %squeeze3A_599 = vector.extract %slice3A_598[0] : f32 from vector<1xf32>
        %mul3A_600 = arith.constant 16 : i32
        %mul3A_601 = arith.muli %scan3A_409, %mul3A_600 : i32
        %add3A_602 = arith.constant 14 : i32
        %add3A_603 = arith.addi %mul3A_601, %add3A_602 : i32
        %get3A_604 = arith.index_cast %add3A_603 : i32 to index
        %get3A_605 = arith.constant 0 : index
        %get3A_606 = tpu.vector_load %arg9[%get3A_604, %get3A_605] {strides = array<i32>} : memref<2048x16xf32, #tpu.memory_space<vmem>>, vector<1x16xf32>,
        %get3A_607 = vector.shape_cast %get3A_606 : vector<1x16xf32> to vector<16xf32>
        %mul3A_608 = vector.broadcast %squeeze3A_599 : f32 to vector<16xf32>
        %mul3A_609 = arith.mulf %mul3A_608, %get3A_607 : vector<16xf32>
        %add3A_610 = arith.addf %add3A_597, %mul3A_609 : vector<16xf32>
        %slice3A_611 = vector.extract_strided_slice %get3A_417 {offsets = [15], sizes = [1], strides = [1]} : vector<16xf32> to vector<1xf32>
        %squeeze3A_612 = vector.extract %slice3A_611[0] : f32 from vector<1xf32>
        %mul3A_613 = arith.constant 16 : i32
        %mul3A_614 = arith.muli %scan3A_409, %mul3A_613 : i32
        %add3A_615 = arith.constant 15 : i32
        %add3A_616 = arith.addi %mul3A_614, %add3A_615 : i32
        %get3A_617 = arith.index_cast %add3A_616 : i32 to index
        %get3A_618 = arith.constant 0 : index
        %get3A_619 = tpu.vector_load %arg9[%get3A_617, %get3A_618] {strides = array<i32>} : memref<2048x16xf32, #tpu.memory_space<vmem>>, vector<1x16xf32>,
        %get3A_620 = vector.shape_cast %get3A_619 : vector<1x16xf32> to vector<16xf32>
        %mul3A_621 = vector.broadcast %squeeze3A_612 : f32 to vector<16xf32>
        %mul3A_622 = arith.mulf %mul3A_621, %get3A_620 : vector<16xf32>
        %add3A_623 = arith.addf %add3A_610, %mul3A_622 : vector<16xf32>
        %mul3A_624 = arith.mulf %add3A_623, %add3A_623 : vector<16xf32>
        %add3A_625 = arith.addf %scan3A_410, %mul3A_624 : vector<16xf32>
        scf.yield %add3A_625 : vector<16xf32>
      }
      %scan3A_408 = arith.constant 128 : i32
      scf.yield %scan3A_407 : vector<16xf32>
    }
    %scan3A_8 = arith.constant 25 : i32
    %swap3A = arith.constant 0 : i32
    %swap3A_9 = arith.index_cast %swap3A : i32 to index
    %swap3A_10 = arith.constant 0 : index
    %swap3A_11 = tpu.vector_load %arg10[%swap3A_9, %swap3A_10] {strides = array<i32>} : memref<8x16xf32, #tpu.memory_space<vmem>>, vector<1x16xf32>,
    %swap3A_12 = vector.shape_cast %swap3A_11 : vector<1x16xf32> to vector<16xf32>
    %swap3A_13 = vector.shape_cast %scan3A_7 : vector<16xf32> to vector<1x16xf32>
    tpu.vector_store %arg10[%swap3A_9, %swap3A_10], %swap3A_13 {strides = array<i32>} : memref<8x16xf32, #tpu.memory_space<vmem>>, vector<1x16xf32>,
    %broadcast_in_dim3A_14 = arith.constant 0.000000e+00 : f32
    %broadcast_in_dim3A_15 = vector.broadcast %broadcast_in_dim3A_14 : f32 to vector<16xf32>
    %swap3A_16 = arith.constant 1 : i32
    %swap3A_17 = arith.index_cast %swap3A_16 : i32 to index
    %swap3A_18 = arith.constant 0 : index
    %swap3A_19 = tpu.vector_load %arg10[%swap3A_17, %swap3A_18] {strides = array<i32>} : memref<8x16xf32, #tpu.memory_space<vmem>>, vector<1x16xf32>,
    %swap3A_20 = vector.shape_cast %swap3A_19 : vector<1x16xf32> to vector<16xf32>
    %swap3A_21 = vector.shape_cast %broadcast_in_dim3A_15 : vector<16xf32> to vector<1x16xf32>
    tpu.vector_store %arg10[%swap3A_17, %swap3A_18], %swap3A_21 {strides = array<i32>} : memref<8x16xf32, #tpu.memory_space<vmem>>, vector<1x16xf32>,
    %swap3A_22 = arith.constant 2 : i32
    %swap3A_23 = arith.index_cast %swap3A_22 : i32 to index
    %swap3A_24 = arith.constant 0 : index
    %swap3A_25 = tpu.vector_load %arg10[%swap3A_23, %swap3A_24] {strides = array<i32>} : memref<8x16xf32, #tpu.memory_space<vmem>>, vector<1x16xf32>,
    %swap3A_26 = vector.shape_cast %swap3A_25 : vector<1x16xf32> to vector<16xf32>
    %swap3A_27 = vector.shape_cast %broadcast_in_dim3A_15 : vector<16xf32> to vector<1x16xf32>
    tpu.vector_store %arg10[%swap3A_23, %swap3A_24], %swap3A_27 {strides = array<i32>} : memref<8x16xf32, #tpu.memory_space<vmem>>, vector<1x16xf32>,
    %swap3A_28 = arith.constant 3 : i32
    %swap3A_29 = arith.index_cast %swap3A_28 : i32 to index
    %swap3A_30 = arith.constant 0 : index
    %swap3A_31 = tpu.vector_load %arg10[%swap3A_29, %swap3A_30] {strides = array<i32>} : memref<8x16xf32, #tpu.memory_space<vmem>>, vector<1x16xf32>,
    %swap3A_32 = vector.shape_cast %swap3A_31 : vector<1x16xf32> to vector<16xf32>
    %swap3A_33 = vector.shape_cast %broadcast_in_dim3A_15 : vector<16xf32> to vector<1x16xf32>
    tpu.vector_store %arg10[%swap3A_29, %swap3A_30], %swap3A_33 {strides = array<i32>} : memref<8x16xf32, #tpu.memory_space<vmem>>, vector<1x16xf32>,
    %swap3A_34 = arith.constant 4 : i32
    %swap3A_35 = arith.index_cast %swap3A_34 : i32 to index
    %swap3A_36 = arith.constant 0 : index
    %swap3A_37 = tpu.vector_load %arg10[%swap3A_35, %swap3A_36] {strides = array<i32>} : memref<8x16xf32, #tpu.memory_space<vmem>>, vector<1x16xf32>,
    %swap3A_38 = vector.shape_cast %swap3A_37 : vector<1x16xf32> to vector<16xf32>
    %swap3A_39 = vector.shape_cast %broadcast_in_dim3A_15 : vector<16xf32> to vector<1x16xf32>
    tpu.vector_store %arg10[%swap3A_35, %swap3A_36], %swap3A_39 {strides = array<i32>} : memref<8x16xf32, #tpu.memory_space<vmem>>, vector<1x16xf32>,
    %swap3A_40 = arith.constant 5 : i32
    %swap3A_41 = arith.index_cast %swap3A_40 : i32 to index
    %swap3A_42 = arith.constant 0 : index
    %swap3A_43 = tpu.vector_load %arg10[%swap3A_41, %swap3A_42] {strides = array<i32>} : memref<8x16xf32, #tpu.memory_space<vmem>>, vector<1x16xf32>,
    %swap3A_44 = vector.shape_cast %swap3A_43 : vector<1x16xf32> to vector<16xf32>
    %swap3A_45 = vector.shape_cast %broadcast_in_dim3A_15 : vector<16xf32> to vector<1x16xf32>
    tpu.vector_store %arg10[%swap3A_41, %swap3A_42], %swap3A_45 {strides = array<i32>} : memref<8x16xf32, #tpu.memory_space<vmem>>, vector<1x16xf32>,
    %swap3A_46 = arith.constant 6 : i32
    %swap3A_47 = arith.index_cast %swap3A_46 : i32 to index
    %swap3A_48 = arith.constant 0 : index
    %swap3A_49 = tpu.vector_load %arg10[%swap3A_47, %swap3A_48] {strides = array<i32>} : memref<8x16xf32, #tpu.memory_space<vmem>>, vector<1x16xf32>,
    %swap3A_50 = vector.shape_cast %swap3A_49 : vector<1x16xf32> to vector<16xf32>
    %swap3A_51 = vector.shape_cast %broadcast_in_dim3A_15 : vector<16xf32> to vector<1x16xf32>
    tpu.vector_store %arg10[%swap3A_47, %swap3A_48], %swap3A_51 {strides = array<i32>} : memref<8x16xf32, #tpu.memory_space<vmem>>, vector<1x16xf32>,
    %swap3A_52 = arith.constant 7 : i32
    %swap3A_53 = arith.index_cast %swap3A_52 : i32 to index
    %swap3A_54 = arith.constant 0 : index
    %swap3A_55 = tpu.vector_load %arg10[%swap3A_53, %swap3A_54] {strides = array<i32>} : memref<8x16xf32, #tpu.memory_space<vmem>>, vector<1x16xf32>,
    %swap3A_56 = vector.shape_cast %swap3A_55 : vector<1x16xf32> to vector<16xf32>
    %swap3A_57 = vector.shape_cast %broadcast_in_dim3A_15 : vector<16xf32> to vector<1x16xf32>
    tpu.vector_store %arg10[%swap3A_53, %swap3A_54], %swap3A_57 {strides = array<i32>} : memref<8x16xf32, #tpu.memory_space<vmem>>, vector<1x16xf32>,
    %mul3A_58 = arith.constant 8 : i32
    %mul3A_59 = arith.muli %add3A, %mul3A_58 : i32
    %multiple_of3A = tpu.assume_multiple %mul3A_59, 8 : i32
    "tpu.region"() ({
      %run_scoped3A = tpu.sem_alloc : memref<!tpu.dma_semaphore, #tpu.memory_space<semaphore_mem>>
      %dma_start3A = arith.constant 0 : i32
      %dma_start3A_60 = tpu.memref_slice %arg5[%multiple_of3A, %dma_start3A] : memref<256x16xf32, #tpu.memory_space<hbm>> -> memref<8x16xf32, #tpu.memory_space<hbm>>
      %dma_start3A_61 = arith.constant 0 : i32
      %dma_start3A_62 = tpu.memref_slice %arg5[%multiple_of3A, %dma_start3A_61] : memref<256x16xf32, #tpu.memory_space<hbm>> -> memref<8x16xf32, #tpu.memory_space<hbm>>
      tpu.enqueue_dma source(%arg10 : memref<8x16xf32, #tpu.memory_space<vmem>>) target(%dma_start3A_62 : memref<8x16xf32, #tpu.memory_space<hbm>>) target_semaphore(%run_scoped3A : memref<!tpu.dma_semaphore, #tpu.memory_space<semaphore_mem>>)
      %dma_wait3A = arith.constant 0 : i32
      %dma_wait3A_63 = tpu.memref_slice %arg5[%multiple_of3A, %dma_wait3A] : memref<256x16xf32, #tpu.memory_space<hbm>> -> memref<8x16xf32, #tpu.memory_space<hbm>>
      %dma_wait3A_64 = arith.constant 0 : i32
      %dma_wait3A_65 = tpu.memref_slice %arg5[%multiple_of3A, %dma_wait3A_64] : memref<256x16xf32, #tpu.memory_space<hbm>> -> memref<8x16xf32, #tpu.memory_space<hbm>>
      tpu.wait_dma2 semaphore(%run_scoped3A : memref<!tpu.dma_semaphore, #tpu.memory_space<semaphore_mem>>) src(%arg10 : memref<8x16xf32, #tpu.memory_space<vmem>>) dst(%dma_wait3A_65 : memref<8x16xf32, #tpu.memory_space<hbm>>)
      tpu.yield
    }) : () -> ()
    return
  }
}

</mosaic_0001>

<sc_bundles>
// kernel: kernel.3.cloned.1.call-start
scs
__scs_entry_jumppad:
0x0: {  	(pc) =	sbr.rel $0x88, $3  }
0x1: {  	(tag) =	ssettag $0x0;
	lr =	simm.s32 $0x1  }
0x2: {  	[smem:$0x3F9D] =	sst lr;
	_ =	strace $0xD0000000  }
0x3: {  	_ = 	snop  }
0x4: {  	_ = 	snop  }
0x5: {  	_ = 	snop  }
0x6: {  	_ = 	snop  }
0x7: {  	_ = 	snop  }
__scs_overlays_trampoline_lowered:
0x8: {  	[smem:$0x3FAC] =	sst s0  }
0x9: {  	[smem:$0x3FAD] =	sst s1  }
0xa: {  	[smem:$0x3FAE] =	sst s2  }
0xb: {  	[smem:$0x3FAF] =	sst s3  }
0xc: {  	[smem:$0x3FB0] =	sst s4  }
0xd: {  	[smem:$0x3FB1] =	sst s5  }
0xe: {  	[smem:$0x3FB2] =	sst s6  }
0xf: {  	[smem:$0x3FB3] =	sst s7  }
0x10: {  	[smem:$0x3FB4] =	sst s8  }
0x11: {  	[smem:$0x3FB5] =	sst s9;
	s0 =	simm.s32 @!p0 $0x0  }
0x12: {  	s1 =	sld [smem:$0x3F9B];
	s0 =	simm.s32 @p0 $0x1  }
0x13: {  	[smem:$0x3FB6] =	sst s0;
	s0 =	simm.s32 @!p1 $0x0  }
0x14: {  	s2 =	sld [smem:$0x3F9A];
	s0 =	simm.s32 @p1 $0x1  }
0x15: {  	[smem:$0x3FB7] =	sst s0;
	s0 =	simm.s32 @!p2 $0x0  }
0x16: {  	s3 =	sld [smem:$0x3FDB];
	s0 =	simm.s32 @p2 $0x1  }
0x17: {  	s4 =	simm.s32 $0x1BF5;
	[smem:$0x3FB9] =	sst s0  }
0x18: {  	s0 =	sld [smem:$0x3F9C];
	_ =	swait.ge [sflag:s4], $0x0  }
0x19: {  	s7 =	sld [smem:$0x3F9D]  }
0x1a: {  	s8 =	sadd.s32 $0xFFFFE003, lr  }
0x1b: {  	s9 =	sadd.s32 $0xFFFFFEF7, lr;
	s5 =	simm.s32 $0xFFFFFFFF;
	p2 =	slt.u32 s8, $0xFFFFF086  }
0x1c: {  	p1 =	slt.u32 s9, $0xF7A;
	s5 =	simm.s32 @!p2 $0x0  }
0x1d: {  	s5 =	simm.s32 @p1 $0x1;
	p0 =	seq.s32 s7, s2  }
0x1e: {  	s7 =	smul.u32 @!p0 $0xF7A, s2;
	p2 =	seq.s32 @!p0 s5, $0x0  }
0x1f: {  	s9 =	smul.u32 $0xF7A, s1;
	s8 =	simm.s32 @!p0 $0x1BF5;
	p2 =	por !p2, p0  }
0x20: {  	[sflag:s8] =	ssyncset.s32 @!p0 $0xFFFFF086;
	s6 =	sadd.s32 @!p0 s3, s7;
	s7 =	simm.s32 @!p0 $0x108  }
0x21: {  	s3 =	sadd.s32 s3, s9;
	s6 =	sadd.s32 @!p0 $0x88, s6;
	s7 =	simm.s32 @p2 $0x1082  }
0x22: {  	[simem:s7], [sflag:s8] =	dma.local @!p0 [hbm:s6], $0xF7A  }
0x23: {  	s9 =	sor.u32 $0xD0000000, s2;
	s6 =	simm.s32 $0x108;
	_ =	swait.ge @!p0 [sflag:s8], $0x0  }
0x24: {  	s3 =	sadd.s32 $0x88, s3;
	s6 =	simm.s32 @!p1 $0x1082;
	[sflag:s4] =	ssyncset.s32 $0xFFFFF086  }
0x25: {  	[simem:s6], [sflag:s4] =	dma.local [hbm:s3], $0xF7A  }
0x26: {  	[smem:$0x3F9D] =	sst s1;
	(tag) =	ssettag s2;
	_ =	strace s9  }
0x27: {  	s1 =	sld [smem:$0x3FAD]  }
0x28: {  	s2 =	sld [smem:$0x3FAE]  }
0x29: {  	s4 =	sld [smem:$0x3FB0]  }
0x2a: {  	p0 =	seq.s32 s5, $0x0;
	s5 =	sld [smem:$0x3FB1]  }
0x2b: {  	s6 =	sld [smem:$0x3FB2]  }
0x2c: {  	s7 =	sld [smem:$0x3FB3]  }
0x2d: {  	s3 =	simm.s32 $0x108;
	s8 =	sld [smem:$0x3FB4]  }
0x2e: {  	s3 =	simm.s32 @!p0 $0x1082;
	s9 =	sld [smem:$0x3FB5]  }
0x2f: {  	lr =	sadd.s32 s0, s3;
	s0 =	sld [smem:$0x3FAC]  }
0x30: {  	s3 =	sld [smem:$0x3FAF]  }
0x31: {  	[smem:$0x3FB8] =	sst s10  }
0x32: {  	s10 =	sld [smem:$0x3FB6];
	_ =	sdelay $0x3  }
0x33: {  	p0 =	seq.s32 s10, $0x1;
	s10 =	sld [smem:$0x3FB8];
	_ =	sdelay $0x3  }
0x34: {  	[smem:$0x3FB8] =	sst s10  }
0x35: {  	s10 =	sld [smem:$0x3FB7];
	_ =	sdelay $0x3  }
0x36: {  	p1 =	seq.s32 s10, $0x1;
	s10 =	sld [smem:$0x3FB8];
	_ =	sdelay $0x3  }
0x37: {  	[smem:$0x3FB8] =	sst s10  }
0x38: {  	s10 =	sld [smem:$0x3FB9]  }
0x39: {  	_ = 	snop;
	(pc) =	sbr.ind lr, $3  }
0x3a: {  	_ = 	snop  }
0x3b: {  	_ = 	snop  }
0x3c: {  	p2 =	seq.s32 s10, $0x1;
	s10 =	sld [smem:$0x3FB8]  }
0x3d: {  	_ =	shalt  }
0x3e: {  	_ =	shalt  }
0x3f: {  	_ =	shalt  }
0x40: {  	_ =	shalt  }
0x41: {  	_ =	shalt  }
0x42: {  	_ =	shalt  }
0x43: {  	_ =	shalt  }
0x44: {  	_ =	shalt  }
0x45: {  	_ =	shalt  }
0x46: {  	_ =	shalt  }
0x47: {  	_ =	shalt  }
0x48: {  	_ =	shalt  }
0x49: {  	_ =	shalt  }
0x4a: {  	_ =	shalt  }
0x4b: {  	_ =	shalt  }
0x4c: {  	_ =	shalt  }
0x4d: {  	_ =	shalt  }
0x4e: {  	_ =	shalt  }
0x4f: {  	_ =	shalt  }
0x50: {  	_ =	shalt  }
0x51: {  	_ =	shalt  }
0x52: {  	_ =	shalt  }
0x53: {  	_ =	shalt  }
0x54: {  	_ =	shalt  }
0x55: {  	_ =	shalt  }
0x56: {  	_ =	shalt  }
0x57: {  	_ =	shalt  }
0x58: {  	_ =	shalt  }
0x59: {  	_ =	shalt  }
0x5a: {  	_ =	shalt  }
0x5b: {  	_ =	shalt  }
0x5c: {  	_ =	shalt  }
0x5d: {  	_ =	shalt  }
0x5e: {  	_ =	shalt  }
0x5f: {  	_ =	shalt  }
0x60: {  	_ =	shalt  }
0x61: {  	_ =	shalt  }
0x62: {  	_ =	shalt  }
0x63: {  	_ =	shalt  }
0x64: {  	_ =	shalt  }
0x65: {  	_ =	shalt  }
0x66: {  	_ =	shalt  }
0x67: {  	_ =	shalt  }
0x68: {  	_ =	shalt  }
0x69: {  	_ =	shalt  }
0x6a: {  	_ =	shalt  }
0x6b: {  	_ =	shalt  }
0x6c: {  	_ =	shalt  }
0x6d: {  	_ =	shalt  }
0x6e: {  	_ =	shalt  }
0x6f: {  	_ =	shalt  }
0x70: {  	_ =	shalt  }
0x71: {  	_ =	shalt  }
0x72: {  	_ =	shalt  }
0x73: {  	_ =	shalt  }
0x74: {  	_ =	shalt  }
0x75: {  	_ =	shalt  }
0x76: {  	_ =	shalt  }
0x77: {  	_ =	shalt  }
0x78: {  	_ =	shalt  }
0x79: {  	_ =	shalt  }
0x7a: {  	_ =	shalt  }
0x7b: {  	_ =	shalt  }
0x7c: {  	_ =	shalt  }
0x7d: {  	_ =	shalt  }
0x7e: {  	_ =	shalt  }
0x7f: {  	_ =	shalt  }
0x80: {  	_ =	shalt  }
0x81: {  	_ =	shalt  }
0x82: {  	_ =	shalt  }
0x83: {  	_ =	shalt  }
0x84: {  	_ =	shalt  }
0x85: {  	_ =	shalt  }
0x86: {  	_ =	shalt  }
0x87: {  	_ =	shalt  }
.Lfunc_end0:
.L_simem_size_0:
called_computation_lowered:
.L_overlay_start_0:
0x88: {  	s2 =	sld [smem:$0x3FD9]  }
0x89: {  	s3 =	sld [smem:$0x3FFE];
	_ =	sdelay $0x1  }
0x8a: {  	s1 =	srdreg.scid  }
0x8b: {  	s0 =	sand.u32 $0x1, s1  }
0x8c: {  	s16 =	sshll.u32 s0, $0xA;
	s2 =	sadd.s32 s3, s2  }
0x8d: {  	s2 =	sadd.s32 s2, s16  }
0x8e: {  	[smem:$0x3FC4] =	sst s2  }
0x8f: {  	_ = 	snop  }
0x90: {  	(tm) =	ssettm $0x1  }
0x91: {  	s17 =	sld [smem:$0x3FFB];
	_ =	sdelay $0x3  }
0x92: {  	_ =	strace s17  }
0x93: {  	s2 =	sld [smem:$0x3FFC];
	_ =	sdelay $0x3  }
0x94: {  	_ =	strace s2  }
0x95: {  	s2 =	sld [smem:$0x3FFD];
	_ =	sdelay $0x3  }
0x96: {  	_ =	strace s2  }
0x97: {  	_ =	strace $0x8FFFFFFF  }
0x98: {  	s18 =	sld [smem:$0x3FDB];
	_ =	sdelay $0x1  }
0x99: {  	s19 =	simm.s32 $_scs_section_size  }
0x9a: {  	s4 =	simm.s32 $_size__tile_overlayer_lowered;
	s5 =	simm.s32 $_tile_overlayer_lowered  }
0x9b: {  	s22 =	simm.s32 $0x1BFF;
	s21 =	sshll.u32 s5, $0x1;
	s2 =	sadd.s32 s19, s18  }
0x9c: {  	s6 =	simm.s32 $0x0;
	s20 =	sshll.u32 s4, $0x1;
	s4 =	sadd.s32 s21, s2  }
0x9d: {  	[timem:s6], [sflag:s22] =	dma.local [hbm:s4], s20  }
0x9e: {  	_ =	swait.ge [sflag:s22], s20  }
0x9f: {  	s3 =	ssub.s32 $0x0, s20;
	[sflag:s22] =	ssyncset.done $0x0  }
0xa0: {  	[sflag:s22] =	ssyncadd.s32 s3;
	_ =	sdelay $0x1  }
0xa1: {  	s23 =	simm.s32 $0x1B8B  }
0xa2: {  	_ =	swait.ge [sflag:s23], $0x1  }
0xa3: {  	[sflag:s23] =	ssyncset.done $0x0  }
0xa4: {  	s25 =	simm.s32 $0x1B8E;
	s24 =	sld [smem:$0x3FFE];
	[sflag:s23] =	ssyncadd.s32 $0xFFFFFFFF  }
0xa5: {  	s26 =	simm.s32 $execute0_lowered;
	[smem:$0x3FD2] =	sst s25  }
0xa6: {  	s4 =	sshll.u32 s26, $0x1;
	_ =	strace $0x80000046;
	[dreg:$0x1] =	wrdreg $0xFFFFFFFF  }
0xa7: {  	s28 =	simm.s32 $_size_execute0_lowered;
	s2 =	sadd.s32 s2, s4;
	[dreg:$0x0] =	wrdreg $0x0  }
0xa8: {  	s4 =	sshll.u32 s28, $0x1;
	[dreg:$0x2] =	wrdreg s2  }
0xa9: {  	[dreg:$0x3] =	wrdreg s4  }
0xaa: {  	[dreg:$0x4] =	wrdreg $0xC0  }
0xab: {  	_ =	task [dreg:s6], $0x5FFFF  }
0xac: {  	[dreg:$0x1] =	wrdreg $0xFFFFFFFF  }
0xad: {  	[dreg:$0x0] =	wrdreg $0x60  }
0xae: {  	[dreg:$0x2] =	wrdreg s24  }
0xaf: {  	[dreg:$0x3] =	wrdreg $0x9  }
0xb0: {  	_ =	task.clear_ibuf [dreg:s6], $0x4FFFF;
	_ =	strace $0x90000046  }
0xb1: {  	s29 =	simm.s32 $0x9;
	_ =	strace $0x80000048  }
0xb2: {  	_ =	swait.ge [sflag:s29], $0x1  }
0xb3: {  	[sflag:s29] =	ssyncadd.s32 $0xFFFFFFFF  }
0xb4: {  	_ =	strace $0x90000048  }
0xb5: {  	_ =	sfence  }
0xb6: {  	s30 =	sld [smem:$0x0];
	_ =	sdelay $0x2  }
0xb7: {  	s31 =	sshll.u32 s1, $0xD;
	s1 =	sshrl.u32 s1, $0x2  }
0xb8: {  	s3 =	sand.u32 $0x4000, s31;
	s1 =	sadd.s32 s1, s30  }
0xb9: {  	s0 =	sor.u32 s3, s0;
	s1 =	sshll.u32 s1, $0x11  }
0xba: {  	s0 =	sor.u32 s1, s0  }
0xbb: {  	s0 =	sadd.s32 $0x8F2B, s0  }
0xbc: {  	[sflag:s0] =	ssyncadd.remote.s32 $0x1  }
0xbd: {  	_ =	sfence.sel $0xFFFF  }
0xbe: {  	[dreg:$0x0] =	wrdreg $0xFFFFFFFF;
	(pc) =	sbr.abs _section_cstart, $3  }
0xbf: {  	[dreg:$0x1] =	wrdreg $0xFFFFFFFF  }
0xc0: {  	_ =	task.clear_ibuf [dreg:s6], $0x2FFFF;
	_ =	strace $0x9FFFFFFF  }
0xc1: {  	(tm) =	ssettm $0x7FFFFFFF  }
tec
execute0_lowered:
.L_overlay_start_1:
0x0: {  	(tag) =	ssettag $0x1  }
0x1: {  	s0 =	rddreg [dreg:$0x0];
	s1 =	simm.s32 $0x0;
	s25 =	srdreg.scid  }
0x2: {  	s2 =	stileid.u32;
	s9 =	simm.s32 $0x2;
	s12 =	simm.s32 $0x80  }
0x3: {  	s24 =	simm.s32 $0x4800;
	s28 =	simm.s32 $0x400;
	s29 =	simm.s32 $0x5800  }
0x4: {  	s30 =	simm.s32 $0x480;
	s31 =	simm.s32 $0x6000;
	s8 =	simm.s32 $0x600  }
0x5: {  	s10 =	simm.s32 $0x7800;
	s11 =	simm.s32 $0x680;
	s13 =	simm.s32 $0x8000  }
0x6: {  	s14 =	simm.s32 $0x700;
	s15 =	simm.s32 $0x8800;
	s16 =	simm.s32 $0x780  }
0x7: {  	s17 =	simm.s32 $0x9000;
	s18 =	simm.s32 $0x1;
	s20 =	simm.s32 $0x0  }
0x8: {  	[smem:$0x7FF] =	sst s1;
	s3 =	sadd.s32 $0x1000, s0;
	s1 =	sand.u32 $0x1, s25  }
0x9: {  	s2 =	sshll.u32 s2, $0x1;
	s4 =	sadd.s32 $0x33000, s0;
	s5 =	sadd.s32 $0x65000, s0  }
0xa: {  	s25 =	simm.s32 $0x380;
	s2 =	sor.u32 s1, s2;
	s1 =	ssub.s32 $0x2, s1  }
0xb: {  	_ =	strace $0x80000047;
	s6 =	sshll.u32 s2, $0x4;
	s7 =	sshrl.u32 s1, $0x1  }
0xc: {  	s0 =	sadd.s32 s6, s0;
	s1 =	ssub.s32 s1, s7;
	s6 =	smul.u32 $0xC800, s2  }
0xd: {  	s2 =	simm.s32 $0x580;
	s7 =	simm.s32 $0x7000;
	s0 =	sadd.s32 $0x97000, s0  }
0xe: {  	s26 =	smax.u32 s1, $0x1;
	s1 =	simm.s32 $0x6800;
	[dreg:$0x2] =	wrdreg s0  }
0xf: {  	v0 =	vimm.f32 $0.0e+00;
	[dreg:$0x3] =	wrdreg s26;
	s26 =	simm.s32 $0x5000;
	s0 =	simm.s32 $0x500  }
.LBB2_1:
0x10: {  	[dreg:$0x4] =	wrdreg s20;
	v1 =	vimm.f32 $0.0e+00;
	s19 =	simm.s32 $0x0  }
.LBB2_2:
0x11: {  	s20 =	sshll.u32 s19, $0xB  }
0x12: {  	s20 =	sadd.s32 s6, s20  }
0x13: {  	s20 =	sshrl.u32 s20, $0x3  }
0x14: {  	s22 =	simm.s32 $0x0;
	s21 =	sadd.s32 s4, s20  }
0x15: {  	[tilespmem:s22], [sflag:$0x2] =	stream.linear.gather [hbm4b:s21+s22], $0x800, $0x38;
	[tilespmem:$0x9880] =	vst v63  }
0x16: {  	_ =	swait.ge [sflag:s9], $0x800  }
0x17: {  	[sflag:s9] =	ssyncset.done $0x0  }
0x18: {  	s23 =	simm.s32 $0x800;
	s21 =	sadd.s32 s5, s20;
	[sflag:s9] =	ssyncadd.s32 $0xFFFFF800  }
0x19: {  	[tilespmem:s23], [sflag:$0x2] =	stream.linear.gather [hbm4b:s21+s22], $0x800, $0x38;
	[tilespmem:$0x9880] =	vst v63  }
0x1a: {  	_ =	swait.ge [sflag:s9], $0x800  }
0x1b: {  	[sflag:s9] =	ssyncset.done $0x0  }
0x1c: {  	s20 =	sadd.s32 s3, s20;
	s23 =	simm.s32 $0x1000;
	[sflag:s9] =	ssyncadd.s32 $0xFFFFF800  }
0x1d: {  	[tilespmem:s23], [sflag:$0x2] =	stream.linear.gather [hbm4b:s20+s22], $0x800, $0x38;
	[tilespmem:$0x9880] =	vst v63  }
0x1e: {  	_ =	swait.ge [sflag:s9], $0x800  }
0x1f: {  	[sflag:s9] =	ssyncset.done $0x0  }
0x20: {  	s23 =	simm.s32 $0x1800;
	[sflag:s9] =	ssyncadd.s32 $0xFFFFF800  }
0x21: {  	[tilespmem:s23], [sflag:$0x1] =	stream.indirect.gather [hbm4b:s3+s12], $0x10, s22, s12, $0xb8;
	[tilespmem:$0x9880] =	vst v63  }
0x22: {  	s21 =	simm.s32 $0x2000  }
0x23: {  	[tilespmem:s21], [sflag:$0x1] =	stream.indirect.gather [hbm4b:s3+s12], $0x10, s12, s12, $0xb8;
	[tilespmem:$0x9880] =	vst v63  }
0x24: {  	s22 =	simm.s32 $0x100;
	s23 =	simm.s32 $0x2800  }
0x25: {  	[tilespmem:s23], [sflag:$0x1] =	stream.indirect.gather [hbm4b:s3+s12], $0x10, s22, s12, $0xb8;
	[tilespmem:$0x9880] =	vst v63  }
0x26: {  	s22 =	simm.s32 $0x180;
	s23 =	simm.s32 $0x3000  }
0x27: {  	[tilespmem:s23], [sflag:$0x1] =	stream.indirect.gather [hbm4b:s3+s12], $0x10, s22, s12, $0xb8;
	[tilespmem:$0x9880] =	vst v63  }
0x28: {  	s22 =	simm.s32 $0x200;
	s23 =	simm.s32 $0x3800  }
0x29: {  	[tilespmem:s23], [sflag:$0x1] =	stream.indirect.gather [hbm4b:s3+s12], $0x10, s22, s12, $0xb8;
	[tilespmem:$0x9880] =	vst v63  }
0x2a: {  	s21 =	simm.s32 $0x280;
	s22 =	simm.s32 $0x4000  }
0x2b: {  	[tilespmem:s22], [sflag:$0x1] =	stream.indirect.gather [hbm4b:s3+s12], $0x10, s21, s12, $0xb8;
	[tilespmem:$0x9880] =	vst v63  }
0x2c: {  	s23 =	simm.s32 $0x300  }
0x2d: {  	[tilespmem:s24], [sflag:$0x1] =	stream.indirect.gather [hbm4b:s3+s12], $0x10, s23, s12, $0xb8;
	[tilespmem:$0x9880] =	vst v63  }
0x2e: {  	_ = 	snop  }
0x2f: {  	[tilespmem:s26], [sflag:$0x1] =	stream.indirect.gather [hbm4b:s3+s12], $0x10, s25, s12, $0xb8;
	[tilespmem:$0x9880] =	vst v63  }
0x30: {  	_ = 	snop  }
0x31: {  	[tilespmem:s29], [sflag:$0x1] =	stream.indirect.gather [hbm4b:s3+s12], $0x10, s28, s12, $0xb8;
	[tilespmem:$0x9880] =	vst v63  }
0x32: {  	_ = 	snop  }
0x33: {  	[tilespmem:s31], [sflag:$0x1] =	stream.indirect.gather [hbm4b:s3+s12], $0x10, s30, s12, $0xb8;
	[tilespmem:$0x9880] =	vst v63  }
0x34: {  	_ = 	snop  }
0x35: {  	[tilespmem:s1], [sflag:$0x1] =	stream.indirect.gather [hbm4b:s3+s12], $0x10, s0, s12, $0xb8;
	[tilespmem:$0x9880] =	vst v63  }
0x36: {  	_ = 	snop  }
0x37: {  	[tilespmem:s7], [sflag:$0x1] =	stream.indirect.gather [hbm4b:s3+s12], $0x10, s2, s12, $0xb8;
	[tilespmem:$0x9880] =	vst v63  }
0x38: {  	_ = 	snop  }
0x39: {  	[tilespmem:s10], [sflag:$0x1] =	stream.indirect.gather [hbm4b:s3+s12], $0x10, s8, s12, $0xb8;
	[tilespmem:$0x9880] =	vst v63  }
0x3a: {  	_ = 	snop  }
0x3b: {  	[tilespmem:s13], [sflag:$0x1] =	stream.indirect.gather [hbm4b:s3+s12], $0x10, s11, s12, $0xb8;
	[tilespmem:$0x9880] =	vst v63  }
0x3c: {  	_ = 	snop  }
0x3d: {  	[tilespmem:s15], [sflag:$0x1] =	stream.indirect.gather [hbm4b:s3+s12], $0x10, s14, s12, $0xb8;
	[tilespmem:$0x9880] =	vst v63  }
0x3e: {  	_ = 	snop  }
0x3f: {  	[tilespmem:s17], [sflag:$0x1] =	stream.indirect.gather [hbm4b:s3+s12], $0x10, s16, s12, $0xb8;
	[tilespmem:$0x9880] =	vst v63  }
0x40: {  	_ =	swait.ge [sflag:s18], $0x800  }
0x41: {  	[sflag:s18] =	ssyncset.done $0x0  }
0x42: {  	[sflag:s18] =	ssyncadd.s32 $0xFFFFF800  }
0x43: {  	_ =	swait.ge [sflag:s18], $0x800  }
0x44: {  	[sflag:s18] =	ssyncset.done $0x0  }
0x45: {  	[sflag:s18] =	ssyncadd.s32 $0xFFFFF800  }
0x46: {  	_ =	swait.ge [sflag:s18], $0x800  }
0x47: {  	[sflag:s18] =	ssyncset.done $0x0  }
0x48: {  	[sflag:s18] =	ssyncadd.s32 $0xFFFFF800  }
0x49: {  	_ =	swait.ge [sflag:s18], $0x800  }
0x4a: {  	[sflag:s18] =	ssyncset.done $0x0  }
0x4b: {  	[sflag:s18] =	ssyncadd.s32 $0xFFFFF800  }
0x4c: {  	_ =	swait.ge [sflag:s18], $0x800  }
0x4d: {  	[sflag:s18] =	ssyncset.done $0x0  }
0x4e: {  	[sflag:s18] =	ssyncadd.s32 $0xFFFFF800  }
0x4f: {  	_ =	swait.ge [sflag:s18], $0x800  }
0x50: {  	[sflag:s18] =	ssyncset.done $0x0  }
0x51: {  	[sflag:s18] =	ssyncadd.s32 $0xFFFFF800  }
0x52: {  	_ =	swait.ge [sflag:s18], $0x800  }
0x53: {  	[sflag:s18] =	ssyncset.done $0x0  }
0x54: {  	[sflag:s18] =	ssyncadd.s32 $0xFFFFF800  }
0x55: {  	_ =	swait.ge [sflag:s18], $0x800  }
0x56: {  	[sflag:s18] =	ssyncset.done $0x0  }
0x57: {  	[sflag:s18] =	ssyncadd.s32 $0xFFFFF800  }
0x58: {  	_ =	swait.ge [sflag:s18], $0x800  }
0x59: {  	[sflag:s18] =	ssyncset.done $0x0  }
0x5a: {  	[sflag:s18] =	ssyncadd.s32 $0xFFFFF800  }
0x5b: {  	_ =	swait.ge [sflag:s18], $0x800  }
0x5c: {  	[sflag:s18] =	ssyncset.done $0x0  }
0x5d: {  	[sflag:s18] =	ssyncadd.s32 $0xFFFFF800  }
0x5e: {  	_ =	swait.ge [sflag:s18], $0x800  }
0x5f: {  	[sflag:s18] =	ssyncset.done $0x0  }
0x60: {  	[sflag:s18] =	ssyncadd.s32 $0xFFFFF800  }
0x61: {  	_ =	swait.ge [sflag:s18], $0x800  }
0x62: {  	[sflag:s18] =	ssyncset.done $0x0  }
0x63: {  	[sflag:s18] =	ssyncadd.s32 $0xFFFFF800  }
0x64: {  	_ =	swait.ge [sflag:s18], $0x800  }
0x65: {  	[sflag:s18] =	ssyncset.done $0x0  }
0x66: {  	[sflag:s18] =	ssyncadd.s32 $0xFFFFF800  }
0x67: {  	_ =	swait.ge [sflag:s18], $0x800  }
0x68: {  	[sflag:s18] =	ssyncset.done $0x0  }
0x69: {  	[sflag:s18] =	ssyncadd.s32 $0xFFFFF800  }
0x6a: {  	_ =	swait.ge [sflag:s18], $0x800  }
0x6b: {  	[sflag:s18] =	ssyncset.done $0x0  }
0x6c: {  	[sflag:s18] =	ssyncadd.s32 $0xFFFFF800  }
0x6d: {  	_ =	swait.ge [sflag:s18], $0x800  }
0x6e: {  	[sflag:s18] =	ssyncset.done $0x0  }
0x6f: {  	s22 =	simm.s32 $0x1880;
	[sflag:s18] =	ssyncadd.s32 $0xFFFFF800  }
0x70: {  	s21 =	simm.s32 $0x0;
	v2 =	vld [tilespmem:s22+$0xFFFFFFC0]  }
0x71: {  	v3 =	vld [tilespmem:s21+$0x800]  }
0x72: {  	v4 =	vld [tilespmem:s22+$0xFFFFFF80]  }
0x73: {  	v5 =	vld [tilespmem:s22+$0xFFFFFF90]  }
0x74: {  	v6 =	vld [tilespmem:s21+$0x1000]  }
0x75: {  	v7 =	vld [tilespmem:s22+$0xFFFFFFA0]  }
0x76: {  	s23 =	simm.s32 $0x10;
	v9 =	vld [tilespmem:s22+$0xFFFFFFB0];
	v8 =	vbroadcast v3, $0x0;
	v10 =	vbroadcast v3, $0x4  }
0x77: {  	v19 =	vld [tilespmem:s23+$0x800];
	v11 =	vbroadcast v3, $0x2;
	v14 =	vbroadcast v3, $0x1  }
0x78: {  	v12 =	vld [tilespmem:s22+$0x40];
	v15 =	vbroadcast v3, $0x5;
	v17 =	vbroadcast v3, $0xF  }
0x79: {  	v13 =	vld [tilespmem:s22+$0x10];
	v18 =	vbroadcast v3, $0x6;
	v4 =	vmul.f32 v4, v8  }
0x7a: {  	v23 =	vld [tilespmem:s23+$0x1000];
	v21 =	vbroadcast v3, $0xA;
	v22 =	vbroadcast v3, $0xB  }
0x7b: {  	s21 =	simm.s32 $0x1980;
	v32 =	vld [tilespmem:s22+$0x60];
	v24 =	vbroadcast v3, $0xD;
	v5 =	vmul.f32 v5, v14;
	v4 =	vadd.f32 v4, v6  }
0x7c: {  	v16 =	vld [tilespmem:s21+$0xFFFFFFC0];
	v25 =	vbroadcast v3, $0xE;
	v27 =	vbroadcast v19, $0x4  }
0x7d: {  	v20 =	vld [tilespmem:s21+$0xFFFFFF90];
	v8 =	vbroadcast v3, $0x3;
	v6 =	vmul.f32 v7, v11;
	v4 =	vadd.f32 v5, v4  }
0x7e: {  	v29 =	vbroadcast v19, $0x1;
	v14 =	vbroadcast v3, $0x9;
	v7 =	vld [tilespmem:s22+$0xFFFFFFD0]  }
0x7f: {  	v2 =	vmul.f32 v2, v10;
	v8 =	vmul.f32 v9, v8;
	v9 =	vld [tilespmem:s21+$0xFFFFFF80];
	v4 =	vadd.f32 v6, v4  }
0x80: {  	v11 =	vbroadcast v3, $0x7;
	v13 =	vmul.f32 v13, v14;
	v6 =	vld [tilespmem:s22+$0xFFFFFFE0]  }
0x81: {  	v26 =	vld [tilespmem:s21+$0xFFFFFFA0];
	v14 =	vbroadcast v3, $0xC;
	v5 =	vbroadcast v3, $0x8;
	v3 =	vadd.f32 v8, v4  }
0x82: {  	v30 =	vbroadcast v19, $0x5;
	v4 =	vbroadcast v19, $0x0;
	v8 =	vld [tilespmem:s22+$0xFFFFFFF0]  }
0x83: {  	v28 =	vld [tilespmem:s21+$0xFFFFFFB0];
	v31 =	vbroadcast v19, $0x6;
	v7 =	vmul.f32 v7, v15;
	v2 =	vadd.f32 v2, v3  }
0x84: {  	v33 =	vbroadcast v19, $0x8;
	v4 =	vmul.f32 v9, v4;
	v9 =	vld [tilespmem:s22+$0x0]  }
0x85: {  	v63 =	vld [tilespmem:s21+$0x0];
	v10 =	vbroadcast v19, $0x2;
	v6 =	vmul.f32 v6, v18;
	v7 =	vadd.f32 v7, v2  }
0x86: {  	v20 =	vmul.f32 v20, v29;
	v15 =	vbroadcast v19, $0x3;
	v18 =	vld [tilespmem:s22+$0x70]  }
0x87: {  	v29 =	vld [tilespmem:s22+$0x20];
	v25 =	vmul.f32 v32, v25;
	v6 =	vadd.f32 v6, v7;
	v7 =	vmul.f32 v8, v11  }
0x88: {  	v16 =	vmul.f32 v16, v27;
	v15 =	vmul.f32 v28, v15;
	v28 =	vld [tilespmem:s22+$0x50];
	v4 =	vadd.f32 v4, v23  }
0x89: {  	v10 =	vmul.f32 v26, v10;
	v23 =	vld [tilespmem:s22+$0x30];
	v5 =	vmul.f32 v9, v5;
	v7 =	vadd.f32 v7, v6  }
0x8a: {  	v26 =	vbroadcast v19, $0x7;
	v12 =	vmul.f32 v12, v14;
	v8 =	vld [tilespmem:s21+$0x10];
	v4 =	vadd.f32 v20, v4  }
0x8b: {  	s23 =	simm.s32 $0x20;
	v2 =	vbroadcast v19, $0xF;
	v18 =	vmul.f32 v18, v17;
	v17 =	vld [tilespmem:s21+$0xFFFFFFD0];
	v34 =	vadd.f32 v5, v7  }
0x8c: {  	v20 =	vmul.f32 v29, v21;
	v9 =	vbroadcast v19, $0x9;
	v21 =	vadd.f32 v10, v4;
	v7 =	vld [tilespmem:s23+$0x800]  }
0x8d: {  	v3 =	vld [tilespmem:s21+$0x40];
	v6 =	vbroadcast v19, $0xA;
	v10 =	vbroadcast v19, $0xD;
	v13 =	vadd.f32 v13, v34  }
0x8e: {  	s20 =	simm.s32 $0x1A80;
	v4 =	vbroadcast v19, $0xE;
	v5 =	vbroadcast v19, $0xB;
	v15 =	vadd.f32 v15, v21;
	v21 =	vld [tilespmem:s21+$0xFFFFFFE0]  }
0x8f: {  	v29 =	vld [tilespmem:s20+$0xFFFFFF80];
	v9 =	vmul.f32 v8, v9;
	v13 =	vadd.f32 v20, v13;
	v20 =	vmul.f32 v23, v22  }
0x90: {  	v8 =	vbroadcast v19, $0xC;
	v19 =	vld [tilespmem:s20+$0xFFFFFF90];
	v16 =	vadd.f32 v16, v15;
	v17 =	vmul.f32 v17, v30  }
0x91: {  	v22 =	vmul.f32 v28, v24;
	v24 =	vld [tilespmem:s20+$0xFFFFFFA0];
	v14 =	vbroadcast v7, $0x0;
	v20 =	vadd.f32 v20, v13  }
0x92: {  	v23 =	vld [tilespmem:s23+$0x1000];
	v27 =	vbroadcast v7, $0x2;
	v15 =	vbroadcast v7, $0x5;
	v16 =	vadd.f32 v17, v16  }
0x93: {  	v28 =	vld [tilespmem:s21+$0xFFFFFFF0];
	v17 =	vbroadcast v7, $0xF;
	v21 =	vmul.f32 v21, v31;
	v12 =	vadd.f32 v12, v20  }
0x94: {  	v30 =	vld [tilespmem:s20+$0xFFFFFFB0];
	v13 =	vbroadcast v7, $0x4;
	v14 =	vmul.f32 v29, v14  }
0x95: {  	v11 =	vld [tilespmem:s20+$0xFFFFFFC0];
	v29 =	vbroadcast v7, $0x3;
	v20 =	vbroadcast v7, $0x1;
	v22 =	vadd.f32 v22, v12  }
0x96: {  	v21 =	vadd.f32 v21, v16;
	v16 =	vbroadcast v7, $0x7;
	v27 =	vmul.f32 v24, v27;
	v24 =	vld [tilespmem:s20+$0x10]  }
0x97: {  	v23 =	vadd.f32 v14, v23;
	v12 =	vld [tilespmem:s20+$0x40];
	v31 =	vmul.f32 v19, v20;
	v22 =	vadd.f32 v25, v22  }
0x98: {  	v14 =	vbroadcast v7, $0x6;
	v19 =	vld [tilespmem:s21+$0x70];
	v25 =	vmul.f32 v28, v26  }
0x99: {  	v20 =	vld [tilespmem:s21+$0x60];
	v26 =	vadd.f32 v31, v23;
	v23 =	vmul.f32 v30, v29;
	v22 =	vadd.f32 v18, v22  }
0x9a: {  	v31 =	vmul.f32 v63, v33;
	v29 =	vbroadcast v7, $0x9;
	v30 =	vadd.f32 v25, v21;
	v25 =	vld [tilespmem:s21+$0x20]  }
0x9b: {  	v28 =	vbroadcast v7, $0xA;
	v21 =	vld [tilespmem:s21+$0x50];
	v22 =	vmul.f32 v22, v22  }
0x9c: {  	s22 =	simm.s32 $0xC0;
	v18 =	vbroadcast v7, $0x8;
	v27 =	vadd.f32 v27, v26;
	v26 =	vld [tilespmem:s21+$0x30];
	s21 =	simm.s32 $0x1B80;
	v30 =	vadd.f32 v31, v30  }
.LBB2_3:
0x9d: {  	s23 =	sshra.s32 s22, $0x2;
	v31 =	vld [tilespmem:s21+$0xFFFFFFC0];
	p0 =	sne.s32 s22, $0x1FC0;
	s22 =	sadd.s32 $0x40, s22;
	v32 =	vbroadcast v7, $0xB;
	v33 =	vmul.f32 v19, v2;
	v1 =	vadd.f32 v22, v1;
	v2 =	vmovc v17  }
0x9e: {  	v19 =	vbroadcast v7, $0xC;
	v17 =	vld [tilespmem:s23+$0x800];
	v22 =	vadd.f32 v9, v30;
	v9 =	vmul.f32 v24, v29  }
0x9f: {  	v29 =	vbroadcast v7, $0xD;
	v24 =	vld [tilespmem:s20+$0xFFFFFFD0];
	v25 =	vmul.f32 v25, v6;
	v6 =	vmov v28  }
0xa0: {  	v20 =	vmul.f32 v20, v4;
	v4 =	vbroadcast v7, $0xE;
	v28 =	vld [tilespmem:s21+$0xFFFFFF80]  }
0xa1: {  	v21 =	vmul.f32 v21, v10;
	v30 =	vld [tilespmem:s21+$0xFFFFFF90];
	v34 =	vadd.f32 v25, v22;
	v22 =	vmul.f32 v26, v5;
	v5 =	vmovc v32  }
0xa2: {  	v35 =	vadd.f32 v23, v27;
	v23 =	vmul.f32 v11, v13;
	v26 =	vmul.f32 v3, v8;
	v25 =	vld [tilespmem:s23+$0x1000];
	v11 =	vmovc v31  }
0xa3: {  	v8 =	vmovc v19;
	v27 =	vbroadcast v17, $0x0;
	v13 =	vbroadcast v17, $0x4;
	v31 =	vld [tilespmem:s20+$0xFFFFFFE0];
	v22 =	vadd.f32 v22, v34;
	v7 =	vmovc v17  }
0xa4: {  	v10 =	vmovc v29;
	v3 =	vmovc v12;
	v17 =	vadd.f32 v23, v35;
	v19 =	vld [tilespmem:s21+$0xFFFFFFA0];
	v32 =	vbroadcast v7, $0x2;
	v23 =	vmul.f32 v24, v15  }
0xa5: {  	v24 =	vbroadcast v7, $0x3;
	v12 =	vmul.f32 v28, v27;
	v27 =	vld [tilespmem:s20+$0xFFFFFFF0];
	v22 =	vadd.f32 v26, v22  }
0xa6: {  	v15 =	vbroadcast v7, $0x5;
	v26 =	vbroadcast v7, $0x1;
	v28 =	vld [tilespmem:s21+$0xFFFFFFB0];
	v23 =	vadd.f32 v23, v17  }
0xa7: {  	v17 =	vbroadcast v7, $0xF;
	v25 =	vadd.f32 v12, v25;
	v29 =	vld [tilespmem:s20+$0x0];
	v21 =	vadd.f32 v21, v22  }
0xa8: {  	v12 =	vld [tilespmem:s21+$0x40];
	v22 =	vmul.f32 v31, v14;
	v14 =	vbroadcast v7, $0x6  }
0xa9: {  	v26 =	vmul.f32 v30, v26;
	v30 =	vmul.f32 v19, v32;
	v19 =	vld [tilespmem:s20+$0x70];
	v21 =	vadd.f32 v20, v21  }
.Ltmp0:
0xaa: {  	v22 =	vadd.f32 v22, v23;
	v27 =	vmul.f32 v27, v16;
	v16 =	vbroadcast v7, $0x7;
	v20 =	vld [tilespmem:s20+$0x60];
	(pc) =	sbr.rel @p0 .LBB2_3-.Ltmp0, $4  }
0xab: {  	v26 =	vadd.f32 v26, v25;
	v23 =	vmul.f32 v28, v24;
	v24 =	vld [tilespmem:s21+$0x10];
	v28 =	vadd.f32 v33, v21  }
0xac: {  	v31 =	vadd.f32 v27, v22;
	v32 =	vmul.f32 v29, v18;
	v18 =	vbroadcast v7, $0x8;
	v25 =	vld [tilespmem:s20+$0x20]  }
0xad: {  	v27 =	vadd.f32 v30, v26;
	v21 =	vld [tilespmem:s20+$0x50];
	v22 =	vmul.f32 v28, v28  }
0xae: {  	v29 =	vbroadcast v7, $0x9;
	v28 =	vbroadcast v7, $0xA;
	v30 =	vadd.f32 v32, v31;
	v26 =	vld [tilespmem:s20+$0x30];
	s20 =	smov.u32 s21;
	s21 =	sadd.s32 $0x100, s21  }
0xaf: {  	v31 =	vld [tilespmem:s20+$0xFFFFFFD0];
	_ =	sdelay $0x1  }
0xb0: {  	v32 =	vld [tilespmem:s20+$0xFFFFFFE0]  }
0xb1: {  	v23 =	vadd.f32 v23, v27;
	v11 =	vmul.f32 v11, v13  }
0xb2: {  	v45 =	vld [tilespmem:s20+$0xFFFFFFF0]  }
0xb3: {  	v11 =	vadd.f32 v11, v23;
	v15 =	vmul.f32 v31, v15  }
0xb4: {  	v46 =	vld [tilespmem:s20+$0x0]  }
0xb5: {  	v14 =	vmul.f32 v32, v14;
	v11 =	vadd.f32 v15, v11;
	_ =	sdelay $0x1  }
0xb6: {  	v13 =	vmul.f32 v45, v16;
	v11 =	vadd.f32 v14, v11  }
0xb7: {  	v47 =	vld [tilespmem:s20+$0x20]  }
0xb8: {  	v48 =	vmul.f32 v46, v18;
	v11 =	vadd.f32 v13, v11  }
0xb9: {  	v49 =	vld [tilespmem:s20+$0x30];
	v9 =	vadd.f32 v9, v30;
	v6 =	vmul.f32 v25, v6  }
0xba: {  	v50 =	vmul.f32 v24, v29;
	v11 =	vadd.f32 v48, v11  }
0xbb: {  	v51 =	vbroadcast v7, $0xB;
	v6 =	vadd.f32 v6, v9  }
0xbc: {  	v5 =	vmul.f32 v26, v5;
	v53 =	vmul.f32 v47, v28;
	v52 =	vadd.f32 v50, v11  }
0xbd: {  	v54 =	vbroadcast v7, $0xC;
	v3 =	vmul.f32 v3, v8;
	v55 =	vld [tilespmem:s20+$0x50]  }
0xbe: {  	v57 =	vmul.f32 v49, v51;
	v5 =	vadd.f32 v5, v6;
	v56 =	vadd.f32 v53, v52  }
0xbf: {  	v58 =	vbroadcast v7, $0xD;
	v59 =	vld [tilespmem:s20+$0x60];
	v60 =	vmul.f32 v12, v54  }
0xc0: {  	v10 =	vmul.f32 v21, v10;
	v3 =	vadd.f32 v3, v5;
	v6 =	vadd.f32 v57, v56  }
0xc1: {  	v61 =	vbroadcast v7, $0xE;
	v4 =	vmul.f32 v20, v4;
	v62 =	vld [tilespmem:s20+$0x70]  }
0xc2: {  	v8 =	vmul.f32 v55, v58;
	v3 =	vadd.f32 v10, v3;
	v5 =	vadd.f32 v60, v6  }
0xc3: {  	v2 =	vmul.f32 v19, v2  }
0xc4: {  	v63 =	vmul.f32 v59, v61;
	v3 =	vadd.f32 v4, v3;
	v5 =	vadd.f32 v8, v5;
	_ =	sdelay $0x1  }
0xc5: {  	v2 =	vadd.f32 v2, v3;
	v3 =	vmul.f32 v62, v17;
	v4 =	vadd.f32 v63, v5  }
0xc6: {  	s19 =	sadd.s32 $0x1, s19  }
0xc7: {  	v1 =	vadd.f32 v22, v1;
	p0 =	sne.s32 s19, $0x19;
	v2 =	vmul.f32 v2, v2;
	v3 =	vadd.f32 v3, v4  }
.Ltmp1:
0xc8: {  	_ = 	snop;
	(pc) =	sbr.rel @p0 .LBB2_2-.Ltmp1, $2  }
0xc9: {  	v1 =	vadd.f32 v2, v1;
	v2 =	vmul.f32 v3, v3;
	_ =	sdelay $0x1  }
0xca: {  	v1 =	vadd.f32 v2, v1;
	_ =	sdelay $0x1  }
0xcb: {  	[tilespmem:$0x9800] =	vst v1  }
0xcc: {  	[tilespmem:$0x9810] =	vst v0  }
0xcd: {  	[tilespmem:$0x9820] =	vst v0  }
0xce: {  	[tilespmem:$0x9830] =	vst v0  }
0xcf: {  	[tilespmem:$0x9840] =	vst v0  }
0xd0: {  	[tilespmem:$0x9850] =	vst v0  }
0xd1: {  	[tilespmem:$0x9860] =	vst v0  }
0xd2: {  	[tilespmem:$0x9870] =	vst v0;
	s19 =	simm.s32 $0x0;
	s20 =	rddreg [dreg:$0x2];
	s21 =	simm.s32 $0x9800  }
0xd3: {  	[hbm4b:s20+s19] =	stream.linear.scatter [tilespmem:s21], [sflag:$0x2], $0x80, $0x38;
	[tilespmem:$0x9880] =	vst v63  }
0xd4: {  	_ =	swait.ge [sflag:s9], $0x80  }
0xd5: {  	s22 =	rddreg [dreg:$0x4]  }
0xd6: {  	s23 =	rddreg [dreg:$0x3];
	s20 =	sadd.s32 $0x1, s22  }
0xd7: {  	p0 =	sne.s32 s20, s23  }
.Ltmp2:
0xd8: {  	_ = 	snop;
	(pc) =	sbr.rel @p0 .LBB2_1-.Ltmp2, $3  }
0xd9: {  	_ =	sdelay $0x1  }
0xda: {  	[sflag:s9] =	ssyncset.done $0x0  }
0xdb: {  	[sflag:s9] =	ssyncadd.s32 $0xFFFFFF80  }
0xdc: {  	_ =	sfence.sel $0x180000  }
0xdd: {  	[bflag:$0x0] =	sbarrier.arrive $0xFFFF  }
0xde: {  	_ =	strace $0x90000047  }
0xdf: {  	s0 =	stileid.u32;
	[bflag:$0x2] =	sbarrier.arrive $0xFFFF  }
0xe0: {  	p0 =	sne.s32 s0, $0x0;
	s0 =	rddreg [dreg:$0x1]  }
0xe1: {  	s0 =	sadd.s32 @!p0 $0x100000, s0  }
0xe2: {  	[sflag:s0] =	ssyncadd.tile.s32 @!p0 $0x1;
	_ =	shalt  }
.Lfunc_end2:
_tile_overlayer_lowered:
.L_overlay_start_2:
0xe3: {  	(tag) =	ssettag $0x2  }
0xe4: {  	s0 =	rddreg [dreg:$0x0];
	s2 =	stileid.u32  }
0xe5: {  	s1 =	rddreg [dreg:$0x1];
	p0 =	sne.s32 s2, $0x0  }
0xe6: {  	s3 =	rddreg [dreg:$0x2];
	[bflag:$0x3] =	sbarrier.arrive $0xFFFF;
	s2 =	simm.s32 @!p0 $0x1C02  }
0xe7: {  	[timem:s3], [sflag:s2] =	dma.local @!p0 [hbm:s0], s1  }
0xe8: {  	s0 =	simm.s32 @!p0 $0x2  }
0xe9: {  	_ =	swait.ge @!p0 [sflag:s0], s1  }
0xea: {  	s1 =	ssub.s32 @!p0 $0x0, s1;
	[sflag:s0] =	ssyncset.done @!p0 $0x0  }
0xeb: {  	[sflag:s0] =	ssyncadd.s32 @!p0 s1  }
0xec: {  	[bflag:$0x3] =	sbarrier.arrive $0xFFFF  }
0xed: {  	_ =	shalt  }

</sc_bundles>
